<compile_context>
chip_gen: v7x
topology: tpu7x:2x2x1
jax: 0.10.2.dev20260603
libtpu: 0.0.44.dev20260713+nightly
codegen_flags: <defaults>
</compile_context>

<pallas_src>
import functools

import jax
import jax.numpy as jnp
from jax import lax
from jax.experimental import pallas as pl
from jax.experimental.pallas import tpu as pltpu, tpu_sc as plsc

_N = 5000
_NCLS = 21
_NFG = _NCLS - 1
_NPAD = 5120
_CHUNK = _NPAD // 16
_K = 1024
_PRE_K = 1000
_MAXDET = 100
_H = 600.0
_W = 800.0
_KMAX = 0x7FFFFFFF
_KBASE = 0x407FFFFF
_KSENT = 0x3FFFFFF

_mesh = plsc.VectorSubcoreMesh(core_axis_name="c", subcore_axis_name="s")


@functools.partial(
    pl.kernel,
    mesh=_mesh,
    compiler_params=pltpu.CompilerParams(needs_layout_passes=False),
    out_type=jax.ShapeDtypeStruct((_NFG, 512), jnp.float32),
    scratch_types=[
        pltpu.VMEM((_NPAD,), jnp.float32),
        pltpu.VMEM((4, _NPAD), jnp.float32),
        pltpu.VMEM((_NPAD + 32,), jnp.int32),
        pltpu.VMEM((_NPAD + 32,), jnp.int32),
        pltpu.VMEM((_NPAD + 32,), jnp.int32),
        pltpu.VMEM((_NPAD + 32,), jnp.int32),
        pltpu.VMEM((1024,), jnp.int32),
        pltpu.VMEM((_K,), jnp.float32),
        pltpu.VMEM((_K,), jnp.float32),
        pltpu.VMEM((_K,), jnp.float32),
        pltpu.VMEM((_K,), jnp.float32),
        pltpu.VMEM((_K,), jnp.float32),
        pltpu.VMEM((_K,), jnp.float32),
        pltpu.VMEM((112,), jnp.float32),
        pltpu.VMEM((112,), jnp.float32),
        pltpu.VMEM((112,), jnp.float32),
        pltpu.VMEM((112,), jnp.float32),
        pltpu.VMEM((112,), jnp.float32),
        pltpu.VMEM((112,), jnp.float32),
        pltpu.VMEM((512,), jnp.float32),
    ],
)
def _sc_detect(pt_hbm, bt_hbm, out_hbm, p_ref, box4, ka, kb, va, vb, hist,
               y1r, x1r, y2r, x2r, arear, scorer,
               ky1, kx1, ky2, kx2, kar, ksc, outb):
    wid = lax.axis_index("s") * 2 + lax.axis_index("c")
    iota = lax.iota(jnp.int32, 16)
    ones = jnp.ones((16,), jnp.int32)
    zerosf = jnp.zeros((16,), jnp.float32)
    zerosi = jnp.zeros((16,), jnp.int32)

    @pl.when(wid < _NFG)
    def _():
        pltpu.sync_copy(pt_hbm.at[wid], p_ref)
        pltpu.sync_copy(bt_hbm.at[wid], box4)

        def build(t, _):
            off = t * 16
            pv = p_ref[pl.ds(off, 16)]
            sv = jnp.where(pv > 0.05, pv, 0.0)
            ka[pl.ds(off, 16)] = _KMAX - plsc.bitcast(sv, jnp.int32)
            va[pl.ds(off, 16)] = off + iota
            return 0

        lax.fori_loop(0, _NPAD // 16, build, 0)

        def zero_hist64(j, _):
            hist[pl.ds(j * 16, 16)] = zerosi
            return 0

        lax.fori_loop(0, 64, zero_hist64, 0)

        def sel_hist(t, _):
            k = ka[pl.ds(t * 16, 16)]
            d = jnp.minimum(lax.shift_right_logical(k, 20) - 0x407, 63)
            plsc.addupdate_scatter(hist, [iota * 64 + d], ones)
            return 0

        lax.fori_loop(0, _NPAD // 16, sel_hist, 0)

        def sel_scan(d, carry):
            cum, ms = carry
            col = plsc.load_gather(hist, [iota * 64 + d])
            cum2 = cum + jnp.sum(col)
            ms = jnp.where((ms < 0) & (cum2 >= _PRE_K), d, ms)
            return (cum2, ms)

        _, mstar = lax.fori_loop(0, 38, sel_scan,
                                 (jnp.int32(0), jnp.int32(-1)))
        mstar = jnp.where(mstar < 0, 62, mstar)
        kthr = (mstar + 0x408) << 20

        def compact(t, off):
            o16 = t * 16
            k = ka[pl.ds(o16, 16)]
            v = va[pl.ds(o16, 16)]
            m = k < kthr
            plsc.store_compressed(kb.at[pl.ds(off, 16)], k - _KBASE, mask=m)
            plsc.store_compressed(vb.at[pl.ds(off, 16)], v, mask=m)
            return off + jnp.sum(m.astype(jnp.int32))

        nc = lax.fori_loop(0, _NPAD // 16, compact, jnp.int32(0))
        kb[pl.ds(nc, 16)] = jnp.full((16,), _KSENT, jnp.int32)
        vb[pl.ds(nc, 16)] = zerosi
        kb[pl.ds(nc + 16, 16)] = jnp.full((16,), _KSENT, jnp.int32)
        vb[pl.ds(nc + 16, 16)] = zerosi
        nchunk = ((nc + 31) & -32) >> 4

        def radix_pass(sh, nb, src_k, src_v, dst_k, dst_v):
            dmask = (1 << nb) - 1
            nbuck = 1 << nb

            def zero_hist(j, _):
                hist[pl.ds(j * 16, 16)] = zerosi
                return 0

            lax.fori_loop(0, nbuck, zero_hist, 0)

            def hist_pass(t, _):
                k = plsc.load_gather(src_k, [iota * nchunk + t])
                d = lax.shift_right_logical(k, sh) & dmask
                plsc.addupdate_scatter(hist, [iota * nbuck + d], ones)
                return 0

            lax.fori_loop(0, nchunk, hist_pass, 0)

            def scan_pass(d, base):
                slot = iota * nbuck + d
                col = plsc.load_gather(hist, [slot])
                csum = plsc.cumsum(col)
                plsc.store_scatter(hist, [slot], csum - col + base)
                return base + jnp.sum(col)

            lax.fori_loop(0, nbuck, scan_pass, jnp.int32(0))

            def permute(t, _):
                eidx = iota * nchunk + t
                k = plsc.load_gather(src_k, [eidx])
                v = plsc.load_gather(src_v, [eidx])
                d = lax.shift_right_logical(k, sh) & dmask
                slot = iota * nbuck + d
                pos = plsc.load_gather(hist, [slot])
                plsc.store_scatter(dst_k, [pos], k)
                plsc.store_scatter(dst_v, [pos], v)
                plsc.addupdate_scatter(hist, [slot], ones)
                return 0

            lax.fori_loop(0, nchunk, permute, 0)

        radix_pass(0, 5, kb, vb, ka, va)
        radix_pass(5, 5, ka, va, kb, vb)
        radix_pass(10, 5, kb, vb, ka, va)
        radix_pass(15, 5, ka, va, kb, vb)
        radix_pass(20, 6, kb, vb, ka, va)

        def gather_boxes(g, _):
            off = g * 16
            live = off + iota < nc
            idxv = jnp.where(live, va[pl.ds(off, 16)], 0)
            by1 = plsc.load_gather(box4, [zerosi, idxv])
            bx1 = plsc.load_gather(box4, [ones, idxv])
            by2 = plsc.load_gather(box4, [ones + ones, idxv])
            bx2 = plsc.load_gather(box4, [ones + ones + ones, idxv])
            y1r[pl.ds(off, 16)] = by1
            x1r[pl.ds(off, 16)] = bx1
            y2r[pl.ds(off, 16)] = by2
            x2r[pl.ds(off, 16)] = bx2
            arear[pl.ds(off, 16)] = (by2 - by1) * (bx2 - bx1)
            sc = plsc.bitcast(0x3F800000 - ka[pl.ds(off, 16)], jnp.float32)
            scorer[pl.ds(off, 16)] = jnp.where(live, sc, 0.0)
            return 0

        lax.fori_loop(0, _K // 16, gather_boxes, 0)

        def zero_kept(g, _):
            off = g * 16
            ky1[pl.ds(off, 16)] = zerosf
            kx1[pl.ds(off, 16)] = zerosf
            ky2[pl.ds(off, 16)] = zerosf
            kx2[pl.ds(off, 16)] = zerosf
            kar[pl.ds(off, 16)] = zerosf
            ksc[pl.ds(off, 16)] = zerosf
            return 0

        lax.fori_loop(0, 7, zero_kept, 0)

        def nms_body(carry):
            i, nk, _ = carry
            yi = jnp.full((16,), y1r[pl.ds(i, 16)][0])
            xi = jnp.full((16,), x1r[pl.ds(i, 16)][0])
            y2i = jnp.full((16,), y2r[pl.ds(i, 16)][0])
            x2i = jnp.full((16,), x2r[pl.ds(i, 16)][0])
            ai = jnp.full((16,), arear[pl.ds(i, 16)][0])
            si = jnp.full((16,), scorer[pl.ds(i, 16)][0])
            nblk = (nk + 15) >> 4

            def chk_body(c2):
                g, _ = c2
                off = g * 16
                ty = jnp.maximum(yi, ky1[pl.ds(off, 16)])
                tx = jnp.maximum(xi, kx1[pl.ds(off, 16)])
                by = jnp.minimum(y2i, ky2[pl.ds(off, 16)])
                bx = jnp.minimum(x2i, kx2[pl.ds(off, 16)])
                hh = jnp.maximum(by - ty, 0.0)
                ww = jnp.maximum(bx - tx, 0.0)
                inter = hh * ww
                den = ai + kar[pl.ds(off, 16)]
                den = den - inter
                den = den + 1e-9
                iou = inter / den
                hit = jnp.sum((iou > 0.3).astype(jnp.int32)) > 0
                return (g + 1, hit)

            def chk_cond(c2):
                g, hit = c2
                return (g < nblk) & jnp.logical_not(hit)

            _, hit = lax.while_loop(chk_cond, chk_body,
                                    (jnp.int32(0), jnp.bool_(False)))

            def do_append(nk_in):
                idxv = jnp.full((16,), nk_in)
                m0 = iota == 0
                plsc.store_scatter(ky1, [idxv], yi, mask=m0)
                plsc.store_scatter(kx1, [idxv], xi, mask=m0)
                plsc.store_scatter(ky2, [idxv], y2i, mask=m0)
                plsc.store_scatter(kx2, [idxv], x2i, mask=m0)
                plsc.store_scatter(kar, [idxv], ai, mask=m0)
                plsc.store_scatter(ksc, [idxv], si, mask=m0)
                return nk_in + 1

            nk2 = lax.cond(jnp.logical_not(hit), do_append, lambda x: x, nk)
            i2 = i + 1
            snext = scorer[pl.ds(jnp.minimum(i2, _PRE_K), 16)][0]
            go = (i2 < _PRE_K) & (nk2 < _MAXDET) & (snext > 0.0)
            return (i2, nk2, go)

        init = (jnp.int32(0), jnp.int32(0), scorer[pl.ds(0, 16)][0] > 0.0)
        _, nkept, _ = lax.while_loop(lambda c: c[2], nms_body, init)

        def zero_out(j, _):
            outb[pl.ds(j * 16, 16)] = zerosf
            return 0

        lax.fori_loop(0, 32, zero_out, 0)

        def emit(g, _):
            row = g * 16 + iota
            m = row < nkept
            off = g * 16
            base = jnp.where(m, row * 5, 0)
            plsc.store_scatter(outb, [base], ky1[pl.ds(off, 16)], mask=m)
            plsc.store_scatter(outb, [base + 1], kx1[pl.ds(off, 16)], mask=m)
            plsc.store_scatter(outb, [base + 2], ky2[pl.ds(off, 16)], mask=m)
            plsc.store_scatter(outb, [base + 3], kx2[pl.ds(off, 16)], mask=m)
            plsc.store_scatter(outb, [base + 4], ksc[pl.ds(off, 16)], mask=m)
            return 0

        lax.fori_loop(0, 7, emit, 0)
        pltpu.sync_copy(outb, out_hbm.at[wid])


def _decode_probs(rois, roi_cls_loc, roi_scores):
    std = jnp.tile(jnp.array([0.1, 0.1, 0.2, 0.2], dtype=jnp.float32), (_NCLS,))
    mean = jnp.zeros((_NCLS * 4,), dtype=jnp.float32)
    loc = (roi_cls_loc * std[None, :] + mean[None, :]).reshape(-1, _NCLS, 4)
    hgt = rois[:, 2] - rois[:, 0]
    wid = rois[:, 3] - rois[:, 1]
    cy = rois[:, 0] + 0.5 * hgt
    cx = rois[:, 1] + 0.5 * wid
    ncy = loc[..., 0] * hgt[:, None] + cy[:, None]
    ncx = loc[..., 1] * wid[:, None] + cx[:, None]
    nh = jnp.exp(loc[..., 2]) * hgt[:, None]
    nw = jnp.exp(loc[..., 3]) * wid[:, None]
    ymin = jnp.clip(ncy - 0.5 * nh, 0.0, _H)
    ymax = jnp.clip(ncy + 0.5 * nh, 0.0, _H)
    xmin = jnp.clip(ncx - 0.5 * nw, 0.0, _W)
    xmax = jnp.clip(ncx + 0.5 * nw, 0.0, _W)
    prob = jax.nn.softmax(roi_scores, axis=1)
    return ymin, xmin, ymax, xmax, prob


def kernel(rois, roi_cls_loc, roi_scores):
    ymin, xmin, ymax, xmax, prob = _decode_probs(rois, roi_cls_loc, roi_scores)
    pt = jnp.transpose(prob[:, 1:], (1, 0))
    bt = jnp.stack([ymin[:, 1:].T, xmin[:, 1:].T,
                    ymax[:, 1:].T, xmax[:, 1:].T], axis=1)
    pt = jnp.pad(pt, ((0, 0), (0, _NPAD - _N)))
    bt = jnp.pad(bt, ((0, 0), (0, 0), (0, _NPAD - _N)))
    out = _sc_detect(pt, bt)
    return out[:, :500].reshape(_NFG, _MAXDET, 5)

# --- scband reference (transcript-rebuilt; emitter-appended) ---
"""Pipeline reference for scband-faster-rcnn-51582557225593 (READ-ONLY COPY).

The authoritative reference and input builder live on the scoring server;
editing this copy changes nothing except your own understanding.
"""

import jax, jax.numpy as jnp
import numpy as np

N = 5000
NCLASS = 21
PRE_K = 1000
MAXDET = 100
H = 600.0
W = 800.0
NMS_T = 0.3
SCORE_T = 0.05


def setup_inputs(seed: int = 0) -> dict:
    key = jax.random.key(seed)
    k1, k2, k3, k4, k5, k6 = jax.random.split(key, 6)
    y1 = jax.random.uniform(k1, (N,)) * (H - 64.0)
    x1 = jax.random.uniform(k2, (N,)) * (W - 64.0)
    hh = jax.random.uniform(k3, (N,)) * 96.0 + 16.0
    ww = jax.random.uniform(k4, (N,)) * 96.0 + 16.0
    rois = jnp.stack([y1, x1, y1 + hh, x1 + ww], axis=-1).astype(jnp.float32)
    roi_cls_loc = (jax.random.normal(k5, (N, NCLASS * 4)) * 0.5).astype(jnp.float32)
    roi_scores = (jax.random.normal(k6, (N, NCLASS)) * 2.0).astype(jnp.float32)
    return {"rois": rois, "roi_cls_loc": roi_cls_loc, "roi_scores": roi_scores}


def decode(rois, roi_cls_loc, roi_scores):
    # loc2bbox + denormalization + clamp, per predict()/_suppress()
    std = jnp.tile(jnp.array([0.1, 0.1, 0.2, 0.2], dtype=jnp.float32), (NCLASS,))
    mean = jnp.zeros((NCLASS * 4,), dtype=jnp.float32)
    loc = (roi_cls_loc * std[None, :] + mean[None, :]).reshape(-1, NCLASS, 4)
    hgt = rois[:, 2] - rois[:, 0]
    wid = rois[:, 3] - rois[:, 1]
    cy = rois[:, 0] + 0.5 * hgt
    cx = rois[:, 1] + 0.5 * wid
    ncy = loc[..., 0] * hgt[:, None] + cy[:, None]
    ncx = loc[..., 1] * wid[:, None] + cx[:, None]
    nh = jnp.exp(loc[..., 2]) * hgt[:, None]
    nw = jnp.exp(loc[..., 3]) * wid[:, None]
    ymin = jnp.clip(ncy - 0.5 * nh, 0.0, H)
    ymax = jnp.clip(ncy + 0.5 * nh, 0.0, H)
    xmin = jnp.clip(ncx - 0.5 * nw, 0.0, W)
    xmax = jnp.clip(ncx + 0.5 * nw, 0.0, W)
    bbox = jnp.stack([ymin, xmin, ymax, xmax], axis=-1)  # [N, NCLASS, 4]
    prob = jax.nn.softmax(roi_scores, axis=1)  # [N, NCLASS]
    return bbox, prob


def iou_matrix(b):
    tl = jnp.maximum(b[:, None, :2], b[None, :, :2])
    br = jnp.minimum(b[:, None, 2:], b[None, :, 2:])
    wh = jnp.clip(br - tl, 0.0)
    inter = wh[..., 0] * wh[..., 1]
    area = (b[:, 2] - b[:, 0]) * (b[:, 3] - b[:, 1])
    return inter / (area[:, None] + area[None, :] - inter + 1e-9)


def nms_keep(boxes, scores):
    # boxes sorted by score descending; greedy NMS via fori_loop
    Kn = boxes.shape[0]
    iou = iou_matrix(boxes)
    idxs = jnp.arange(Kn)
    init = scores > 0.0

    def body(i, keep):
        sup = jnp.any((iou[:, i] > NMS_T) & keep & (idxs < i))
        return keep.at[i].set(keep[i] & jnp.logical_not(sup))

    return jax.lax.fori_loop(0, Kn, body, init)


def reference(rois, roi_cls_loc, roi_scores):
    bbox, prob = decode(rois, roi_cls_loc, roi_scores)
    # skip background class 0, as in _suppress (l in 1..n_class-1)
    bb = jnp.transpose(bbox[:, 1:, :], (1, 0, 2))  # [NCLASS-1, N, 4]
    pp = jnp.transpose(prob[:, 1:], (1, 0))  # [NCLASS-1, N]

    def per_class(b, p):
        s = jnp.where(p > SCORE_T, p, 0.0)
        sv, order = jax.lax.top_k(s, PRE_K)
        sb = jnp.take(b, order, axis=0)
        keep = nms_keep(sb, sv)
        masked = jnp.where(keep, sv, -1.0)
        dv, di = jax.lax.top_k(masked, MAXDET)
        ob = jnp.take(sb, di, axis=0)
        os_ = jnp.where(dv > 0.0, jnp.take(sv, di), 0.0)
        valid = (dv > 0.0).astype(jnp.float32)
        ob = ob * valid[:, None]
        return jnp.concatenate([ob, os_[:, None]], axis=-1)

    return jax.vmap(per_class)(bb, pp)  # [NCLASS-1, MAXDET, 5]

if __name__ == "__main__":
    import jax
    _d = setup_inputs()
    print(jax.jit(kernel)(*tuple(_d.values())))

</pallas_src>

<mosaic_0001>
#map = affine_map<(d0, d1) -> (0, 0)>
#map1 = affine_map<(d0, d1) -> (0, 0, 0)>
module attributes {stable_mosaic.version = 14 : i64} {
  func.func @_sc_detect(%arg0: i32, %arg1: i32, %arg2: memref<20x5120xf32, #tpu.memory_space<hbm>>, %arg3: memref<20x4x5120xf32, #tpu.memory_space<hbm>>, %arg4: memref<20x512xf32, #tpu.memory_space<hbm>>, %arg5: memref<5120xf32, #tpu.memory_space<vmem>>, %arg6: memref<4x5120xf32, #tpu.memory_space<vmem>>, %arg7: memref<5152xi32, #tpu.memory_space<vmem>>, %arg8: memref<5152xi32, #tpu.memory_space<vmem>>, %arg9: memref<5152xi32, #tpu.memory_space<vmem>>, %arg10: memref<5152xi32, #tpu.memory_space<vmem>>, %arg11: memref<1024xi32, #tpu.memory_space<vmem>>, %arg12: memref<1024xf32, #tpu.memory_space<vmem>>, %arg13: memref<1024xf32, #tpu.memory_space<vmem>>, %arg14: memref<1024xf32, #tpu.memory_space<vmem>>, %arg15: memref<1024xf32, #tpu.memory_space<vmem>>, %arg16: memref<1024xf32, #tpu.memory_space<vmem>>, %arg17: memref<1024xf32, #tpu.memory_space<vmem>>, %arg18: memref<112xf32, #tpu.memory_space<vmem>>, %arg19: memref<112xf32, #tpu.memory_space<vmem>>, %arg20: memref<112xf32, #tpu.memory_space<vmem>>, %arg21: memref<112xf32, #tpu.memory_space<vmem>>, %arg22: memref<112xf32, #tpu.memory_space<vmem>>, %arg23: memref<112xf32, #tpu.memory_space<vmem>>, %arg24: memref<512xf32, #tpu.memory_space<vmem>>) attributes {dimension_semantics = [#tpu.dimension_semantics<core_parallel>, #tpu.dimension_semantics<subcore_parallel>], iteration_bounds = array<i64: 2, 16>, scalar_prefetch = 0 : i64, scratch_operands = 20 : i64, tpu.core_type = #tpu.core_type<sc_vector_subcore>, window_params = [{transform_indices = #map}, {transform_indices = #map1}, {transform_indices = #map}]} {
    %mul3A = arith.constant 2 : i32
    %mul3A_0 = arith.muli %arg1, %mul3A : i32
    %add3A = arith.addi %mul3A_0, %arg0 : i32
    %iota3A = tpu.iota {dimensions = array<i32: 0>} : vector<16xi32>
    %broadcast_in_dim3A = arith.constant 1 : i32
    %broadcast_in_dim3A_1 = vector.broadcast %broadcast_in_dim3A : i32 to vector<16xi32>
    %broadcast_in_dim3A_2 = arith.constant 0.000000e+00 : f32
    %broadcast_in_dim3A_3 = vector.broadcast %broadcast_in_dim3A_2 : f32 to vector<16xf32>
    %broadcast_in_dim3A_4 = arith.constant 0 : i32
    %broadcast_in_dim3A_5 = vector.broadcast %broadcast_in_dim3A_4 : i32 to vector<16xi32>
    %lt3A = arith.constant 20 : i32
    %lt3A_6 = arith.cmpi slt, %add3A, %lt3A : i32
    %convert_element_type3A = arith.extui %lt3A_6 : i1 to i32
    %cond3A = arith.constant 0 : i32
    %cond3A_7 = arith.cmpi ne, %convert_element_type3A, %cond3A : i32
    scf.if %cond3A_7 {
      "tpu.region"() ({
        %run_scoped3A = tpu.sem_alloc : memref<!tpu.dma_semaphore, #tpu.memory_space<semaphore_mem>>
        %dma_start3A = arith.constant 0 : i32
        %dma_start3A_289 = tpu.memref_slice %arg2[%add3A, %dma_start3A] : memref<20x5120xf32, #tpu.memory_space<hbm>> -> memref<1x5120xf32, #tpu.memory_space<hbm>>
        %dma_start3A_290 = tpu.memref_squeeze %dma_start3A_289 : memref<1x5120xf32, #tpu.memory_space<hbm>> -> memref<5120xf32, #tpu.memory_space<hbm>>
        %dma_start3A_291 = arith.constant 0 : i32
        %dma_start3A_292 = tpu.memref_slice %arg2[%add3A, %dma_start3A_291] : memref<20x5120xf32, #tpu.memory_space<hbm>> -> memref<1x5120xf32, #tpu.memory_space<hbm>>
        %dma_start3A_293 = tpu.memref_squeeze %dma_start3A_292 : memref<1x5120xf32, #tpu.memory_space<hbm>> -> memref<5120xf32, #tpu.memory_space<hbm>>
        tpu.enqueue_dma source(%dma_start3A_293 : memref<5120xf32, #tpu.memory_space<hbm>>) target(%arg5 : memref<5120xf32, #tpu.memory_space<vmem>>) target_semaphore(%run_scoped3A : memref<!tpu.dma_semaphore, #tpu.memory_space<semaphore_mem>>)
        %dma_wait3A = arith.constant 0 : i32
        %dma_wait3A_294 = tpu.memref_slice %arg2[%add3A, %dma_wait3A] : memref<20x5120xf32, #tpu.memory_space<hbm>> -> memref<1x5120xf32, #tpu.memory_space<hbm>>
        %dma_wait3A_295 = tpu.memref_squeeze %dma_wait3A_294 : memref<1x5120xf32, #tpu.memory_space<hbm>> -> memref<5120xf32, #tpu.memory_space<hbm>>
        %dma_wait3A_296 = arith.constant 0 : i32
        %dma_wait3A_297 = tpu.memref_slice %arg2[%add3A, %dma_wait3A_296] : memref<20x5120xf32, #tpu.memory_space<hbm>> -> memref<1x5120xf32, #tpu.memory_space<hbm>>
        %dma_wait3A_298 = tpu.memref_squeeze %dma_wait3A_297 : memref<1x5120xf32, #tpu.memory_space<hbm>> -> memref<5120xf32, #tpu.memory_space<hbm>>
        tpu.wait_dma2 semaphore(%run_scoped3A : memref<!tpu.dma_semaphore, #tpu.memory_space<semaphore_mem>>) src(%dma_wait3A_298 : memref<5120xf32, #tpu.memory_space<hbm>>) dst(%arg5 : memref<5120xf32, #tpu.memory_space<vmem>>)
        tpu.yield
      }) : () -> ()
      "tpu.region"() ({
        %run_scoped3A = tpu.sem_alloc : memref<!tpu.dma_semaphore, #tpu.memory_space<semaphore_mem>>
        %dma_start3A = arith.constant 0 : i32
        %dma_start3A_289 = arith.constant 0 : i32
        %dma_start3A_290 = tpu.memref_slice %arg3[%add3A, %dma_start3A, %dma_start3A_289] : memref<20x4x5120xf32, #tpu.memory_space<hbm>> -> memref<1x4x5120xf32, #tpu.memory_space<hbm>>
        %dma_start3A_291 = tpu.memref_squeeze %dma_start3A_290 : memref<1x4x5120xf32, #tpu.memory_space<hbm>> -> memref<4x5120xf32, #tpu.memory_space<hbm>>
        %dma_start3A_292 = arith.constant 0 : i32
        %dma_start3A_293 = arith.constant 0 : i32
        %dma_start3A_294 = tpu.memref_slice %arg3[%add3A, %dma_start3A_292, %dma_start3A_293] : memref<20x4x5120xf32, #tpu.memory_space<hbm>> -> memref<1x4x5120xf32, #tpu.memory_space<hbm>>
        %dma_start3A_295 = tpu.memref_squeeze %dma_start3A_294 : memref<1x4x5120xf32, #tpu.memory_space<hbm>> -> memref<4x5120xf32, #tpu.memory_space<hbm>>
        tpu.enqueue_dma source(%dma_start3A_295 : memref<4x5120xf32, #tpu.memory_space<hbm>>) target(%arg6 : memref<4x5120xf32, #tpu.memory_space<vmem>>) target_semaphore(%run_scoped3A : memref<!tpu.dma_semaphore, #tpu.memory_space<semaphore_mem>>)
        %dma_wait3A = arith.constant 0 : i32
        %dma_wait3A_296 = arith.constant 0 : i32
        %dma_wait3A_297 = tpu.memref_slice %arg3[%add3A, %dma_wait3A, %dma_wait3A_296] : memref<20x4x5120xf32, #tpu.memory_space<hbm>> -> memref<1x4x5120xf32, #tpu.memory_space<hbm>>
        %dma_wait3A_298 = tpu.memref_squeeze %dma_wait3A_297 : memref<1x4x5120xf32, #tpu.memory_space<hbm>> -> memref<4x5120xf32, #tpu.memory_space<hbm>>
        %dma_wait3A_299 = arith.constant 0 : i32
        %dma_wait3A_300 = arith.constant 0 : i32
        %dma_wait3A_301 = tpu.memref_slice %arg3[%add3A, %dma_wait3A_299, %dma_wait3A_300] : memref<20x4x5120xf32, #tpu.memory_space<hbm>> -> memref<1x4x5120xf32, #tpu.memory_space<hbm>>
        %dma_wait3A_302 = tpu.memref_squeeze %dma_wait3A_301 : memref<1x4x5120xf32, #tpu.memory_space<hbm>> -> memref<4x5120xf32, #tpu.memory_space<hbm>>
        tpu.wait_dma2 semaphore(%run_scoped3A : memref<!tpu.dma_semaphore, #tpu.memory_space<semaphore_mem>>) src(%dma_wait3A_302 : memref<4x5120xf32, #tpu.memory_space<hbm>>) dst(%arg6 : memref<4x5120xf32, #tpu.memory_space<vmem>>)
        tpu.yield
      }) : () -> ()
      %scan3A = arith.constant 0 : i32
      %scan3A_8 = arith.constant 0 : i32
      %scan3A_9 = arith.constant 320 : i32
      %scan3A_10 = arith.addi %scan3A_8, %scan3A_9 : i32
      %scan3A_11 = arith.constant 1 : i32
      %scan3A_12 = scf.for %scan3A_289 = %scan3A_8 to %scan3A_10 step %scan3A_11 iter_args(%scan3A_290 = %scan3A) -> (i32)  : i32 {
        %mul3A_291 = arith.constant 16 : i32
        %mul3A_292 = arith.muli %scan3A_289, %mul3A_291 : i32
        %get3A_293 = arith.index_cast %mul3A_292 : i32 to index
        %get3A_294 = tpu.vector_load %arg5[%get3A_293] {strides = array<i32>} : memref<5120xf32, #tpu.memory_space<vmem>>, vector<16xf32>,
        %gt3A_295 = arith.constant 5.000000e-02 : f32
        %gt3A_296 = vector.broadcast %gt3A_295 : f32 to vector<16xf32>
        %gt3A_297 = arith.cmpf ogt, %get3A_294, %gt3A_296 : vector<16xf32>
        %jit3A_298 = arith.constant 0.000000e+00 : f32
        %broadcast_in_dim3A_299 = vector.broadcast %jit3A_298 : f32 to vector<16xf32>
        %select_n3A_300 = arith.select %gt3A_297, %get3A_294, %broadcast_in_dim3A_299 : vector<16xi1>, vector<16xf32>
        %bitcast3A = vector.bitcast %select_n3A_300 : vector<16xf32> to vector<16xi32>
        %sub3A = arith.constant 2147483647 : i32
        %sub3A_301 = vector.broadcast %sub3A : i32 to vector<16xi32>
        %sub3A_302 = arith.subi %sub3A_301, %bitcast3A : vector<16xi32>
        %swap3A_303 = arith.index_cast %mul3A_292 : i32 to index
        %swap3A_304 = tpu.vector_load %arg7[%swap3A_303] {strides = array<i32>} : memref<5152xi32, #tpu.memory_space<vmem>>, vector<16xi32>,
        tpu.vector_store %arg7[%swap3A_303], %sub3A_302 {strides = array<i32>} : memref<5152xi32, #tpu.memory_space<vmem>>, vector<16xi32>,
        %add3A_305 = vector.broadcast %mul3A_292 : i32 to vector<16xi32>
        %add3A_306 = arith.addi %add3A_305, %iota3A : vector<16xi32>
        %swap3A_307 = arith.index_cast %mul3A_292 : i32 to index
        %swap3A_308 = tpu.vector_load %arg9[%swap3A_307] {strides = array<i32>} : memref<5152xi32, #tpu.memory_space<vmem>>, vector<16xi32>,
        tpu.vector_store %arg9[%swap3A_307], %add3A_306 {strides = array<i32>} : memref<5152xi32, #tpu.memory_space<vmem>>, vector<16xi32>,
        %scan3A_309 = arith.constant 0 : i32
        scf.yield %scan3A_309 : i32
      }
      %scan3A_13 = arith.constant 320 : i32
      %scan3A_14 = arith.constant 0 : i32
      %scan3A_15 = arith.constant 0 : i32
      %scan3A_16 = arith.constant 64 : i32
      %scan3A_17 = arith.addi %scan3A_15, %scan3A_16 : i32
      %scan3A_18 = arith.constant 1 : i32
      %scan3A_19 = scf.for %scan3A_289 = %scan3A_15 to %scan3A_17 step %scan3A_18 iter_args(%scan3A_290 = %scan3A_14) -> (i32)  : i32 {
        %mul3A_291 = arith.constant 16 : i32
        %mul3A_292 = arith.muli %scan3A_289, %mul3A_291 : i32
        %swap3A_293 = arith.index_cast %mul3A_292 : i32 to index
        %swap3A_294 = tpu.vector_load %arg11[%swap3A_293] {strides = array<i32>} : memref<1024xi32, #tpu.memory_space<vmem>>, vector<16xi32>,
        tpu.vector_store %arg11[%swap3A_293], %broadcast_in_dim3A_5 {strides = array<i32>} : memref<1024xi32, #tpu.memory_space<vmem>>, vector<16xi32>,
        %scan3A_295 = arith.constant 0 : i32
        scf.yield %scan3A_295 : i32
      }
      %scan3A_20 = arith.constant 64 : i32
      %scan3A_21 = arith.constant 0 : i32
      %scan3A_22 = arith.constant 0 : i32
      %scan3A_23 = arith.constant 320 : i32
      %scan3A_24 = arith.addi %scan3A_22, %scan3A_23 : i32
      %scan3A_25 = arith.constant 1 : i32
      %scan3A_26 = scf.for %scan3A_289 = %scan3A_22 to %scan3A_24 step %scan3A_25 iter_args(%scan3A_290 = %scan3A_21) -> (i32)  : i32 {
        %mul3A_291 = arith.constant 16 : i32
        %mul3A_292 = arith.muli %scan3A_289, %mul3A_291 : i32
        %get3A_293 = arith.index_cast %mul3A_292 : i32 to index
        %get3A_294 = tpu.vector_load %arg7[%get3A_293] {strides = array<i32>} : memref<5152xi32, #tpu.memory_space<vmem>>, vector<16xi32>,
        %shift_right_logical3A = arith.constant 20 : i32
        %shift_right_logical3A_295 = vector.broadcast %shift_right_logical3A : i32 to vector<16xi32>
        %shift_right_logical3A_296 = arith.shrui %get3A_294, %shift_right_logical3A_295 : vector<16xi32>
        %sub3A = arith.constant 1031 : i32
        %sub3A_297 = vector.broadcast %sub3A : i32 to vector<16xi32>
        %sub3A_298 = arith.subi %shift_right_logical3A_296, %sub3A_297 : vector<16xi32>
        %min3A = arith.constant 63 : i32
        %min3A_299 = vector.broadcast %min3A : i32 to vector<16xi32>
        %min3A_300 = arith.minsi %sub3A_298, %min3A_299 : vector<16xi32>
        %mul3A_301 = arith.constant 64 : i32
        %mul3A_302 = vector.broadcast %mul3A_301 : i32 to vector<16xi32>
        %mul3A_303 = arith.muli %iota3A, %mul3A_302 : vector<16xi32>
        %add3A_304 = arith.addi %mul3A_303, %min3A_300 : vector<16xi32>
        tpu.vector_store_idx %arg11[%add3A_304], %broadcast_in_dim3A_1 {add = true} : memref<1024xi32, #tpu.memory_space<vmem>>[vector<16xi32>], vector<16xi32>,
        %scan3A_305 = arith.constant 0 : i32
        scf.yield %scan3A_305 : i32
      }
      %scan3A_27 = arith.constant 320 : i32
      %scan3A_28 = arith.constant 0 : i32
      %scan3A_29 = arith.constant -1 : i32
      %scan3A_30 = arith.constant 0 : i32
      %scan3A_31 = arith.constant 38 : i32
      %scan3A_32 = arith.addi %scan3A_30, %scan3A_31 : i32
      %scan3A_33 = arith.constant 1 : i32
      %scan3A_34:2 = scf.for %scan3A_289 = %scan3A_30 to %scan3A_32 step %scan3A_33 iter_args(%scan3A_290 = %scan3A_28, %scan3A_291 = %scan3A_29) -> (i32, i32)  : i32 {
        %mul3A_292 = arith.constant 64 : i32
        %mul3A_293 = vector.broadcast %mul3A_292 : i32 to vector<16xi32>
        %mul3A_294 = arith.muli %iota3A, %mul3A_293 : vector<16xi32>
        %add3A_295 = vector.broadcast %scan3A_289 : i32 to vector<16xi32>
        %add3A_296 = arith.addi %mul3A_294, %add3A_295 : vector<16xi32>
        %gather3A = tpu.vector_load_idx %arg11[%add3A_296] : memref<1024xi32, #tpu.memory_space<vmem>>[vector<16xi32>], vector<16xi32>,
        %reduce_sum3A = arith.constant true
        %reduce_sum3A_297 = vector.broadcast %reduce_sum3A : i1 to vector<16xi1>
        %reduce_sum3A_298 = tpu.scan <sum>, %gather3A masked %reduce_sum3A_297 : vector<16xi32>, vector<16xi1> -> vector<16xi32>
        %reduce_sum3A_299 = vector.extract %reduce_sum3A_298[15] : i32 from vector<16xi32>
        %add3A_300 = arith.addi %scan3A_290, %reduce_sum3A_299 : i32
        %lt3A_301 = arith.constant 0 : i32
        %lt3A_302 = arith.cmpi slt, %scan3A_291, %lt3A_301 : i32
        %ge3A = arith.constant 1000 : i32
        %ge3A_303 = arith.cmpi sge, %add3A_300, %ge3A : i32
        %and3A_304 = arith.andi %lt3A_302, %ge3A_303 : i1
        %select_n3A_305 = arith.select %and3A_304, %scan3A_289, %scan3A_291 : i32
        scf.yield %add3A_300, %select_n3A_305 : i32, i32
      }
      %scan3A_35 = arith.constant 38 : i32
      %lt3A_36 = arith.constant 0 : i32
      %lt3A_37 = arith.cmpi slt, %scan3A_34#1, %lt3A_36 : i32
      %jit3A = arith.constant 62 : i32
      %select_n3A = arith.select %lt3A_37, %jit3A, %scan3A_34#1 : i32
      %add3A_38 = arith.constant 1032 : i32
      %add3A_39 = arith.addi %select_n3A, %add3A_38 : i32
      %shift_left3A = arith.constant 20 : i32
      %shift_left3A_40 = arith.shli %add3A_39, %shift_left3A : i32
      %scan3A_41 = arith.constant 0 : i32
      %scan3A_42 = arith.constant 0 : i32
      %scan3A_43 = arith.constant 320 : i32
      %scan3A_44 = arith.addi %scan3A_42, %scan3A_43 : i32
      %scan3A_45 = arith.constant 1 : i32
      %scan3A_46 = scf.for %scan3A_289 = %scan3A_42 to %scan3A_44 step %scan3A_45 iter_args(%scan3A_290 = %scan3A_41) -> (i32)  : i32 {
        %mul3A_291 = arith.constant 16 : i32
        %mul3A_292 = arith.muli %scan3A_289, %mul3A_291 : i32
        %get3A_293 = arith.index_cast %mul3A_292 : i32 to index
        %get3A_294 = tpu.vector_load %arg7[%get3A_293] {strides = array<i32>} : memref<5152xi32, #tpu.memory_space<vmem>>, vector<16xi32>,
        %get3A_295 = arith.index_cast %mul3A_292 : i32 to index
        %get3A_296 = tpu.vector_load %arg9[%get3A_295] {strides = array<i32>} : memref<5152xi32, #tpu.memory_space<vmem>>, vector<16xi32>,
        %lt3A_297 = vector.broadcast %shift_left3A_40 : i32 to vector<16xi32>
        %lt3A_298 = arith.cmpi slt, %get3A_294, %lt3A_297 : vector<16xi32>
        %sub3A = arith.constant 1082130431 : i32
        %sub3A_299 = vector.broadcast %sub3A : i32 to vector<16xi32>
        %sub3A_300 = arith.subi %get3A_294, %sub3A_299 : vector<16xi32>
        %swap3A_301 = arith.index_cast %scan3A_290 : i32 to index
        %swap3A_302 = tpu.vector_load %arg8[%swap3A_301] masked %lt3A_298 {strides = array<i32>} : memref<5152xi32, #tpu.memory_space<vmem>>, vector<16xi32>, vector<16xi1>
        tpu.vector_store %arg8[%swap3A_301], %sub3A_300 masked %lt3A_298 {strides = array<i32>} : memref<5152xi32, #tpu.memory_space<vmem>>, vector<16xi32>, vector<16xi1>
        %swap3A_303 = arith.index_cast %scan3A_290 : i32 to index
        %swap3A_304 = tpu.vector_load %arg10[%swap3A_303] masked %lt3A_298 {strides = array<i32>} : memref<5152xi32, #tpu.memory_space<vmem>>, vector<16xi32>, vector<16xi1>
        tpu.vector_store %arg10[%swap3A_303], %get3A_296 masked %lt3A_298 {strides = array<i32>} : memref<5152xi32, #tpu.memory_space<vmem>>, vector<16xi32>, vector<16xi1>
        %convert_element_type3A_305 = arith.extui %lt3A_298 : vector<16xi1> to vector<16xi32>
        %reduce_sum3A = arith.constant true
        %reduce_sum3A_306 = vector.broadcast %reduce_sum3A : i1 to vector<16xi1>
        %reduce_sum3A_307 = tpu.scan <sum>, %convert_element_type3A_305 masked %reduce_sum3A_306 : vector<16xi32>, vector<16xi1> -> vector<16xi32>
        %reduce_sum3A_308 = vector.extract %reduce_sum3A_307[15] : i32 from vector<16xi32>
        %add3A_309 = arith.addi %scan3A_290, %reduce_sum3A_308 : i32
        scf.yield %add3A_309 : i32
      }
      %scan3A_47 = arith.constant 320 : i32
      %broadcast_in_dim3A_48 = arith.constant 67108863 : i32
      %broadcast_in_dim3A_49 = vector.broadcast %broadcast_in_dim3A_48 : i32 to vector<16xi32>
      %swap3A = arith.index_cast %scan3A_46 : i32 to index
      %swap3A_50 = tpu.vector_load %arg8[%swap3A] {strides = array<i32>} : memref<5152xi32, #tpu.memory_space<vmem>>, vector<16xi32>,
      tpu.vector_store %arg8[%swap3A], %broadcast_in_dim3A_49 {strides = array<i32>} : memref<5152xi32, #tpu.memory_space<vmem>>, vector<16xi32>,
      %swap3A_51 = arith.index_cast %scan3A_46 : i32 to index
      %swap3A_52 = tpu.vector_load %arg10[%swap3A_51] {strides = array<i32>} : memref<5152xi32, #tpu.memory_space<vmem>>, vector<16xi32>,
      tpu.vector_store %arg10[%swap3A_51], %broadcast_in_dim3A_5 {strides = array<i32>} : memref<5152xi32, #tpu.memory_space<vmem>>, vector<16xi32>,
      %broadcast_in_dim3A_53 = arith.constant 67108863 : i32
      %broadcast_in_dim3A_54 = vector.broadcast %broadcast_in_dim3A_53 : i32 to vector<16xi32>
      %add3A_55 = arith.constant 16 : i32
      %add3A_56 = arith.addi %scan3A_46, %add3A_55 : i32
      %swap3A_57 = arith.index_cast %add3A_56 : i32 to index
      %swap3A_58 = tpu.vector_load %arg8[%swap3A_57] {strides = array<i32>} : memref<5152xi32, #tpu.memory_space<vmem>>, vector<16xi32>,
      tpu.vector_store %arg8[%swap3A_57], %broadcast_in_dim3A_54 {strides = array<i32>} : memref<5152xi32, #tpu.memory_space<vmem>>, vector<16xi32>,
      %add3A_59 = arith.constant 16 : i32
      %add3A_60 = arith.addi %scan3A_46, %add3A_59 : i32
      %swap3A_61 = arith.index_cast %add3A_60 : i32 to index
      %swap3A_62 = tpu.vector_load %arg10[%swap3A_61] {strides = array<i32>} : memref<5152xi32, #tpu.memory_space<vmem>>, vector<16xi32>,
      tpu.vector_store %arg10[%swap3A_61], %broadcast_in_dim3A_5 {strides = array<i32>} : memref<5152xi32, #tpu.memory_space<vmem>>, vector<16xi32>,
      %add3A_63 = arith.constant 31 : i32
      %add3A_64 = arith.addi %scan3A_46, %add3A_63 : i32
      %and3A = arith.constant -32 : i32
      %and3A_65 = arith.andi %add3A_64, %and3A : i32
      %shift_right_arithmetic3A = arith.constant 4 : i32
      %shift_right_arithmetic3A_66 = arith.shrsi %and3A_65, %shift_right_arithmetic3A : i32
      %scan3A_67 = arith.constant 0 : i32
      %scan3A_68 = arith.constant 0 : i32
      %scan3A_69 = arith.constant 32 : i32
      %scan3A_70 = arith.addi %scan3A_68, %scan3A_69 : i32
      %scan3A_71 = arith.constant 1 : i32
      %scan3A_72 = scf.for %scan3A_289 = %scan3A_68 to %scan3A_70 step %scan3A_71 iter_args(%scan3A_290 = %scan3A_67) -> (i32)  : i32 {
        %mul3A_291 = arith.constant 16 : i32
        %mul3A_292 = arith.muli %scan3A_289, %mul3A_291 : i32
        %swap3A_293 = arith.index_cast %mul3A_292 : i32 to index
        %swap3A_294 = tpu.vector_load %arg11[%swap3A_293] {strides = array<i32>} : memref<1024xi32, #tpu.memory_space<vmem>>, vector<16xi32>,
        tpu.vector_store %arg11[%swap3A_293], %broadcast_in_dim3A_5 {strides = array<i32>} : memref<1024xi32, #tpu.memory_space<vmem>>, vector<16xi32>,
        %scan3A_295 = arith.constant 0 : i32
        scf.yield %scan3A_295 : i32
      }
      %scan3A_73 = arith.constant 32 : i32
      %while3A = arith.constant 0 : i32
      %while3A_74 = arith.constant 0 : i32
      %while3A_75 = arith.subi %shift_right_arithmetic3A_66, %while3A : i32
      %while3A_76 = arith.addi %while3A, %while3A_75 : i32
      %while3A_77 = arith.constant 1 : i32
      %while3A_78 = arith.divsi %while3A_75, %while3A_77 : i32
      %while3A_79 = arith.muli %while3A_78, %while3A_77 : i32
      %while3A_80 = arith.addi %while3A, %while3A_79 : i32
      %while3A_81 = arith.constant 1 : i32
      %while3A_82 = scf.for %while3A_289 = %while3A to %while3A_80 step %while3A_81 iter_args(%while3A_290 = %while3A_74) -> (i32)  : i32 {
        %mul3A_291 = vector.broadcast %shift_right_arithmetic3A_66 : i32 to vector<16xi32>
        %mul3A_292 = arith.muli %iota3A, %mul3A_291 : vector<16xi32>
        %add3A_293 = vector.broadcast %while3A_289 : i32 to vector<16xi32>
        %add3A_294 = arith.addi %mul3A_292, %add3A_293 : vector<16xi32>
        %gather3A = tpu.vector_load_idx %arg8[%add3A_294] : memref<5152xi32, #tpu.memory_space<vmem>>[vector<16xi32>], vector<16xi32>,
        %shift_right_logical3A = arith.constant 0 : i32
        %shift_right_logical3A_295 = vector.broadcast %shift_right_logical3A : i32 to vector<16xi32>
        %shift_right_logical3A_296 = arith.shrui %gather3A, %shift_right_logical3A_295 : vector<16xi32>
        %and3A_297 = arith.constant 31 : i32
        %and3A_298 = vector.broadcast %and3A_297 : i32 to vector<16xi32>
        %and3A_299 = arith.andi %shift_right_logical3A_296, %and3A_298 : vector<16xi32>
        %mul3A_300 = arith.constant 32 : i32
        %mul3A_301 = vector.broadcast %mul3A_300 : i32 to vector<16xi32>
        %mul3A_302 = arith.muli %iota3A, %mul3A_301 : vector<16xi32>
        %add3A_303 = arith.addi %mul3A_302, %and3A_299 : vector<16xi32>
        tpu.vector_store_idx %arg11[%add3A_303], %broadcast_in_dim3A_1 {add = true} : memref<1024xi32, #tpu.memory_space<vmem>>[vector<16xi32>], vector<16xi32>,
        %while3A_304 = arith.constant 0 : i32
        scf.yield %while3A_304 : i32
      }
      %while3A_83 = arith.constant 1 : i32
      %while3A_84 = scf.for %while3A_289 = %while3A_80 to %while3A_76 step %while3A_83 iter_args(%while3A_290 = %while3A_82) -> (i32)  : i32 {
        %mul3A_291 = vector.broadcast %shift_right_arithmetic3A_66 : i32 to vector<16xi32>
        %mul3A_292 = arith.muli %iota3A, %mul3A_291 : vector<16xi32>
        %add3A_293 = vector.broadcast %while3A_289 : i32 to vector<16xi32>
        %add3A_294 = arith.addi %mul3A_292, %add3A_293 : vector<16xi32>
        %gather3A = tpu.vector_load_idx %arg8[%add3A_294] : memref<5152xi32, #tpu.memory_space<vmem>>[vector<16xi32>], vector<16xi32>,
        %shift_right_logical3A = arith.constant 0 : i32
        %shift_right_logical3A_295 = vector.broadcast %shift_right_logical3A : i32 to vector<16xi32>
        %shift_right_logical3A_296 = arith.shrui %gather3A, %shift_right_logical3A_295 : vector<16xi32>
        %and3A_297 = arith.constant 31 : i32
        %and3A_298 = vector.broadcast %and3A_297 : i32 to vector<16xi32>
        %and3A_299 = arith.andi %shift_right_logical3A_296, %and3A_298 : vector<16xi32>
        %mul3A_300 = arith.constant 32 : i32
        %mul3A_301 = vector.broadcast %mul3A_300 : i32 to vector<16xi32>
        %mul3A_302 = arith.muli %iota3A, %mul3A_301 : vector<16xi32>
        %add3A_303 = arith.addi %mul3A_302, %and3A_299 : vector<16xi32>
        tpu.vector_store_idx %arg11[%add3A_303], %broadcast_in_dim3A_1 {add = true} : memref<1024xi32, #tpu.memory_space<vmem>>[vector<16xi32>], vector<16xi32>,
        %while3A_304 = arith.constant 0 : i32
        scf.yield %while3A_304 : i32
      }
      %scan3A_85 = arith.constant 0 : i32
      %scan3A_86 = arith.constant 0 : i32
      %scan3A_87 = arith.constant 32 : i32
      %scan3A_88 = arith.addi %scan3A_86, %scan3A_87 : i32
      %scan3A_89 = arith.constant 1 : i32
      %scan3A_90 = scf.for %scan3A_289 = %scan3A_86 to %scan3A_88 step %scan3A_89 iter_args(%scan3A_290 = %scan3A_85) -> (i32)  : i32 {
        %mul3A_291 = arith.constant 32 : i32
        %mul3A_292 = vector.broadcast %mul3A_291 : i32 to vector<16xi32>
        %mul3A_293 = arith.muli %iota3A, %mul3A_292 : vector<16xi32>
        %add3A_294 = vector.broadcast %scan3A_289 : i32 to vector<16xi32>
        %add3A_295 = arith.addi %mul3A_293, %add3A_294 : vector<16xi32>
        %gather3A = tpu.vector_load_idx %arg11[%add3A_295] : memref<1024xi32, #tpu.memory_space<vmem>>[vector<16xi32>], vector<16xi32>,
        %broadcast_in_dim3A_296 = arith.constant true
        %broadcast_in_dim3A_297 = vector.broadcast %broadcast_in_dim3A_296 : i1 to vector<16xi1>
        %masked_cumsum3A = tpu.scan <sum>, %gather3A masked %broadcast_in_dim3A_297 : vector<16xi32>, vector<16xi1> -> vector<16xi32>
        %sub3A = arith.subi %masked_cumsum3A, %gather3A : vector<16xi32>
        %add3A_298 = vector.broadcast %scan3A_290 : i32 to vector<16xi32>
        %add3A_299 = arith.addi %sub3A, %add3A_298 : vector<16xi32>
        tpu.vector_store_idx %arg11[%add3A_295], %add3A_299 : memref<1024xi32, #tpu.memory_space<vmem>>[vector<16xi32>], vector<16xi32>,
        %reduce_sum3A = arith.constant true
        %reduce_sum3A_300 = vector.broadcast %reduce_sum3A : i1 to vector<16xi1>
        %reduce_sum3A_301 = tpu.scan <sum>, %gather3A masked %reduce_sum3A_300 : vector<16xi32>, vector<16xi1> -> vector<16xi32>
        %reduce_sum3A_302 = vector.extract %reduce_sum3A_301[15] : i32 from vector<16xi32>
        %add3A_303 = arith.addi %scan3A_290, %reduce_sum3A_302 : i32
        scf.yield %add3A_303 : i32
      }
      %scan3A_91 = arith.constant 32 : i32
      %while3A_92 = arith.constant 0 : i32
      %while3A_93 = arith.constant 0 : i32
      %while3A_94 = arith.subi %shift_right_arithmetic3A_66, %while3A_92 : i32
      %while3A_95 = arith.addi %while3A_92, %while3A_94 : i32
      %while3A_96 = arith.constant 1 : i32
      %while3A_97 = arith.divsi %while3A_94, %while3A_96 : i32
      %while3A_98 = arith.muli %while3A_97, %while3A_96 : i32
      %while3A_99 = arith.addi %while3A_92, %while3A_98 : i32
      %while3A_100 = arith.constant 1 : i32
      %while3A_101 = scf.for %while3A_289 = %while3A_92 to %while3A_99 step %while3A_100 iter_args(%while3A_290 = %while3A_93) -> (i32)  : i32 {
        %mul3A_291 = vector.broadcast %shift_right_arithmetic3A_66 : i32 to vector<16xi32>
        %mul3A_292 = arith.muli %iota3A, %mul3A_291 : vector<16xi32>
        %add3A_293 = vector.broadcast %while3A_289 : i32 to vector<16xi32>
        %add3A_294 = arith.addi %mul3A_292, %add3A_293 : vector<16xi32>
        %gather3A = tpu.vector_load_idx %arg8[%add3A_294] : memref<5152xi32, #tpu.memory_space<vmem>>[vector<16xi32>], vector<16xi32>,
        %gather3A_295 = tpu.vector_load_idx %arg10[%add3A_294] : memref<5152xi32, #tpu.memory_space<vmem>>[vector<16xi32>], vector<16xi32>,
        %shift_right_logical3A = arith.constant 0 : i32
        %shift_right_logical3A_296 = vector.broadcast %shift_right_logical3A : i32 to vector<16xi32>
        %shift_right_logical3A_297 = arith.shrui %gather3A, %shift_right_logical3A_296 : vector<16xi32>
        %and3A_298 = arith.constant 31 : i32
        %and3A_299 = vector.broadcast %and3A_298 : i32 to vector<16xi32>
        %and3A_300 = arith.andi %shift_right_logical3A_297, %and3A_299 : vector<16xi32>
        %mul3A_301 = arith.constant 32 : i32
        %mul3A_302 = vector.broadcast %mul3A_301 : i32 to vector<16xi32>
        %mul3A_303 = arith.muli %iota3A, %mul3A_302 : vector<16xi32>
        %add3A_304 = arith.addi %mul3A_303, %and3A_300 : vector<16xi32>
        %gather3A_305 = tpu.vector_load_idx %arg11[%add3A_304] : memref<1024xi32, #tpu.memory_space<vmem>>[vector<16xi32>], vector<16xi32>,
        tpu.vector_store_idx %arg7[%gather3A_305], %gather3A : memref<5152xi32, #tpu.memory_space<vmem>>[vector<16xi32>], vector<16xi32>,
        tpu.vector_store_idx %arg9[%gather3A_305], %gather3A_295 : memref<5152xi32, #tpu.memory_space<vmem>>[vector<16xi32>], vector<16xi32>,
        tpu.vector_store_idx %arg11[%add3A_304], %broadcast_in_dim3A_1 {add = true} : memref<1024xi32, #tpu.memory_space<vmem>>[vector<16xi32>], vector<16xi32>,
        %while3A_306 = arith.constant 0 : i32
        scf.yield %while3A_306 : i32
      }
      %while3A_102 = arith.constant 1 : i32
      %while3A_103 = scf.for %while3A_289 = %while3A_99 to %while3A_95 step %while3A_102 iter_args(%while3A_290 = %while3A_101) -> (i32)  : i32 {
        %mul3A_291 = vector.broadcast %shift_right_arithmetic3A_66 : i32 to vector<16xi32>
        %mul3A_292 = arith.muli %iota3A, %mul3A_291 : vector<16xi32>
        %add3A_293 = vector.broadcast %while3A_289 : i32 to vector<16xi32>
        %add3A_294 = arith.addi %mul3A_292, %add3A_293 : vector<16xi32>
        %gather3A = tpu.vector_load_idx %arg8[%add3A_294] : memref<5152xi32, #tpu.memory_space<vmem>>[vector<16xi32>], vector<16xi32>,
        %gather3A_295 = tpu.vector_load_idx %arg10[%add3A_294] : memref<5152xi32, #tpu.memory_space<vmem>>[vector<16xi32>], vector<16xi32>,
        %shift_right_logical3A = arith.constant 0 : i32
        %shift_right_logical3A_296 = vector.broadcast %shift_right_logical3A : i32 to vector<16xi32>
        %shift_right_logical3A_297 = arith.shrui %gather3A, %shift_right_logical3A_296 : vector<16xi32>
        %and3A_298 = arith.constant 31 : i32
        %and3A_299 = vector.broadcast %and3A_298 : i32 to vector<16xi32>
        %and3A_300 = arith.andi %shift_right_logical3A_297, %and3A_299 : vector<16xi32>
        %mul3A_301 = arith.constant 32 : i32
        %mul3A_302 = vector.broadcast %mul3A_301 : i32 to vector<16xi32>
        %mul3A_303 = arith.muli %iota3A, %mul3A_302 : vector<16xi32>
        %add3A_304 = arith.addi %mul3A_303, %and3A_300 : vector<16xi32>
        %gather3A_305 = tpu.vector_load_idx %arg11[%add3A_304] : memref<1024xi32, #tpu.memory_space<vmem>>[vector<16xi32>], vector<16xi32>,
        tpu.vector_store_idx %arg7[%gather3A_305], %gather3A : memref<5152xi32, #tpu.memory_space<vmem>>[vector<16xi32>], vector<16xi32>,
        tpu.vector_store_idx %arg9[%gather3A_305], %gather3A_295 : memref<5152xi32, #tpu.memory_space<vmem>>[vector<16xi32>], vector<16xi32>,
        tpu.vector_store_idx %arg11[%add3A_304], %broadcast_in_dim3A_1 {add = true} : memref<1024xi32, #tpu.memory_space<vmem>>[vector<16xi32>], vector<16xi32>,
        %while3A_306 = arith.constant 0 : i32
        scf.yield %while3A_306 : i32
      }
      %scan3A_104 = arith.constant 0 : i32
      %scan3A_105 = arith.constant 0 : i32
      %scan3A_106 = arith.constant 32 : i32
      %scan3A_107 = arith.addi %scan3A_105, %scan3A_106 : i32
      %scan3A_108 = arith.constant 1 : i32
      %scan3A_109 = scf.for %scan3A_289 = %scan3A_105 to %scan3A_107 step %scan3A_108 iter_args(%scan3A_290 = %scan3A_104) -> (i32)  : i32 {
        %mul3A_291 = arith.constant 16 : i32
        %mul3A_292 = arith.muli %scan3A_289, %mul3A_291 : i32
        %swap3A_293 = arith.index_cast %mul3A_292 : i32 to index
        %swap3A_294 = tpu.vector_load %arg11[%swap3A_293] {strides = array<i32>} : memref<1024xi32, #tpu.memory_space<vmem>>, vector<16xi32>,
        tpu.vector_store %arg11[%swap3A_293], %broadcast_in_dim3A_5 {strides = array<i32>} : memref<1024xi32, #tpu.memory_space<vmem>>, vector<16xi32>,
        %scan3A_295 = arith.constant 0 : i32
        scf.yield %scan3A_295 : i32
      }
      %scan3A_110 = arith.constant 32 : i32
      %while3A_111 = arith.constant 0 : i32
      %while3A_112 = arith.constant 0 : i32
      %while3A_113 = arith.subi %shift_right_arithmetic3A_66, %while3A_111 : i32
      %while3A_114 = arith.addi %while3A_111, %while3A_113 : i32
      %while3A_115 = arith.constant 1 : i32
      %while3A_116 = arith.divsi %while3A_113, %while3A_115 : i32
      %while3A_117 = arith.muli %while3A_116, %while3A_115 : i32
      %while3A_118 = arith.addi %while3A_111, %while3A_117 : i32
      %while3A_119 = arith.constant 1 : i32
      %while3A_120 = scf.for %while3A_289 = %while3A_111 to %while3A_118 step %while3A_119 iter_args(%while3A_290 = %while3A_112) -> (i32)  : i32 {
        %mul3A_291 = vector.broadcast %shift_right_arithmetic3A_66 : i32 to vector<16xi32>
        %mul3A_292 = arith.muli %iota3A, %mul3A_291 : vector<16xi32>
        %add3A_293 = vector.broadcast %while3A_289 : i32 to vector<16xi32>
        %add3A_294 = arith.addi %mul3A_292, %add3A_293 : vector<16xi32>
        %gather3A = tpu.vector_load_idx %arg7[%add3A_294] : memref<5152xi32, #tpu.memory_space<vmem>>[vector<16xi32>], vector<16xi32>,
        %shift_right_logical3A = arith.constant 5 : i32
        %shift_right_logical3A_295 = vector.broadcast %shift_right_logical3A : i32 to vector<16xi32>
        %shift_right_logical3A_296 = arith.shrui %gather3A, %shift_right_logical3A_295 : vector<16xi32>
        %and3A_297 = arith.constant 31 : i32
        %and3A_298 = vector.broadcast %and3A_297 : i32 to vector<16xi32>
        %and3A_299 = arith.andi %shift_right_logical3A_296, %and3A_298 : vector<16xi32>
        %mul3A_300 = arith.constant 32 : i32
        %mul3A_301 = vector.broadcast %mul3A_300 : i32 to vector<16xi32>
        %mul3A_302 = arith.muli %iota3A, %mul3A_301 : vector<16xi32>
        %add3A_303 = arith.addi %mul3A_302, %and3A_299 : vector<16xi32>
        tpu.vector_store_idx %arg11[%add3A_303], %broadcast_in_dim3A_1 {add = true} : memref<1024xi32, #tpu.memory_space<vmem>>[vector<16xi32>], vector<16xi32>,
        %while3A_304 = arith.constant 0 : i32
        scf.yield %while3A_304 : i32
      }
      %while3A_121 = arith.constant 1 : i32
      %while3A_122 = scf.for %while3A_289 = %while3A_118 to %while3A_114 step %while3A_121 iter_args(%while3A_290 = %while3A_120) -> (i32)  : i32 {
        %mul3A_291 = vector.broadcast %shift_right_arithmetic3A_66 : i32 to vector<16xi32>
        %mul3A_292 = arith.muli %iota3A, %mul3A_291 : vector<16xi32>
        %add3A_293 = vector.broadcast %while3A_289 : i32 to vector<16xi32>
        %add3A_294 = arith.addi %mul3A_292, %add3A_293 : vector<16xi32>
        %gather3A = tpu.vector_load_idx %arg7[%add3A_294] : memref<5152xi32, #tpu.memory_space<vmem>>[vector<16xi32>], vector<16xi32>,
        %shift_right_logical3A = arith.constant 5 : i32
        %shift_right_logical3A_295 = vector.broadcast %shift_right_logical3A : i32 to vector<16xi32>
        %shift_right_logical3A_296 = arith.shrui %gather3A, %shift_right_logical3A_295 : vector<16xi32>
        %and3A_297 = arith.constant 31 : i32
        %and3A_298 = vector.broadcast %and3A_297 : i32 to vector<16xi32>
        %and3A_299 = arith.andi %shift_right_logical3A_296, %and3A_298 : vector<16xi32>
        %mul3A_300 = arith.constant 32 : i32
        %mul3A_301 = vector.broadcast %mul3A_300 : i32 to vector<16xi32>
        %mul3A_302 = arith.muli %iota3A, %mul3A_301 : vector<16xi32>
        %add3A_303 = arith.addi %mul3A_302, %and3A_299 : vector<16xi32>
        tpu.vector_store_idx %arg11[%add3A_303], %broadcast_in_dim3A_1 {add = true} : memref<1024xi32, #tpu.memory_space<vmem>>[vector<16xi32>], vector<16xi32>,
        %while3A_304 = arith.constant 0 : i32
        scf.yield %while3A_304 : i32
      }
      %scan3A_123 = arith.constant 0 : i32
      %scan3A_124 = arith.constant 0 : i32
      %scan3A_125 = arith.constant 32 : i32
      %scan3A_126 = arith.addi %scan3A_124, %scan3A_125 : i32
      %scan3A_127 = arith.constant 1 : i32
      %scan3A_128 = scf.for %scan3A_289 = %scan3A_124 to %scan3A_126 step %scan3A_127 iter_args(%scan3A_290 = %scan3A_123) -> (i32)  : i32 {
        %mul3A_291 = arith.constant 32 : i32
        %mul3A_292 = vector.broadcast %mul3A_291 : i32 to vector<16xi32>
        %mul3A_293 = arith.muli %iota3A, %mul3A_292 : vector<16xi32>
        %add3A_294 = vector.broadcast %scan3A_289 : i32 to vector<16xi32>
        %add3A_295 = arith.addi %mul3A_293, %add3A_294 : vector<16xi32>
        %gather3A = tpu.vector_load_idx %arg11[%add3A_295] : memref<1024xi32, #tpu.memory_space<vmem>>[vector<16xi32>], vector<16xi32>,
        %broadcast_in_dim3A_296 = arith.constant true
        %broadcast_in_dim3A_297 = vector.broadcast %broadcast_in_dim3A_296 : i1 to vector<16xi1>
        %masked_cumsum3A = tpu.scan <sum>, %gather3A masked %broadcast_in_dim3A_297 : vector<16xi32>, vector<16xi1> -> vector<16xi32>
        %sub3A = arith.subi %masked_cumsum3A, %gather3A : vector<16xi32>
        %add3A_298 = vector.broadcast %scan3A_290 : i32 to vector<16xi32>
        %add3A_299 = arith.addi %sub3A, %add3A_298 : vector<16xi32>
        tpu.vector_store_idx %arg11[%add3A_295], %add3A_299 : memref<1024xi32, #tpu.memory_space<vmem>>[vector<16xi32>], vector<16xi32>,
        %reduce_sum3A = arith.constant true
        %reduce_sum3A_300 = vector.broadcast %reduce_sum3A : i1 to vector<16xi1>
        %reduce_sum3A_301 = tpu.scan <sum>, %gather3A masked %reduce_sum3A_300 : vector<16xi32>, vector<16xi1> -> vector<16xi32>
        %reduce_sum3A_302 = vector.extract %reduce_sum3A_301[15] : i32 from vector<16xi32>
        %add3A_303 = arith.addi %scan3A_290, %reduce_sum3A_302 : i32
        scf.yield %add3A_303 : i32
      }
      %scan3A_129 = arith.constant 32 : i32
      %while3A_130 = arith.constant 0 : i32
      %while3A_131 = arith.constant 0 : i32
      %while3A_132 = arith.subi %shift_right_arithmetic3A_66, %while3A_130 : i32
      %while3A_133 = arith.addi %while3A_130, %while3A_132 : i32
      %while3A_134 = arith.constant 1 : i32
      %while3A_135 = arith.divsi %while3A_132, %while3A_134 : i32
      %while3A_136 = arith.muli %while3A_135, %while3A_134 : i32
      %while3A_137 = arith.addi %while3A_130, %while3A_136 : i32
      %while3A_138 = arith.constant 1 : i32
      %while3A_139 = scf.for %while3A_289 = %while3A_130 to %while3A_137 step %while3A_138 iter_args(%while3A_290 = %while3A_131) -> (i32)  : i32 {
        %mul3A_291 = vector.broadcast %shift_right_arithmetic3A_66 : i32 to vector<16xi32>
        %mul3A_292 = arith.muli %iota3A, %mul3A_291 : vector<16xi32>
        %add3A_293 = vector.broadcast %while3A_289 : i32 to vector<16xi32>
        %add3A_294 = arith.addi %mul3A_292, %add3A_293 : vector<16xi32>
        %gather3A = tpu.vector_load_idx %arg7[%add3A_294] : memref<5152xi32, #tpu.memory_space<vmem>>[vector<16xi32>], vector<16xi32>,
        %gather3A_295 = tpu.vector_load_idx %arg9[%add3A_294] : memref<5152xi32, #tpu.memory_space<vmem>>[vector<16xi32>], vector<16xi32>,
        %shift_right_logical3A = arith.constant 5 : i32
        %shift_right_logical3A_296 = vector.broadcast %shift_right_logical3A : i32 to vector<16xi32>
        %shift_right_logical3A_297 = arith.shrui %gather3A, %shift_right_logical3A_296 : vector<16xi32>
        %and3A_298 = arith.constant 31 : i32
        %and3A_299 = vector.broadcast %and3A_298 : i32 to vector<16xi32>
        %and3A_300 = arith.andi %shift_right_logical3A_297, %and3A_299 : vector<16xi32>
        %mul3A_301 = arith.constant 32 : i32
        %mul3A_302 = vector.broadcast %mul3A_301 : i32 to vector<16xi32>
        %mul3A_303 = arith.muli %iota3A, %mul3A_302 : vector<16xi32>
        %add3A_304 = arith.addi %mul3A_303, %and3A_300 : vector<16xi32>
        %gather3A_305 = tpu.vector_load_idx %arg11[%add3A_304] : memref<1024xi32, #tpu.memory_space<vmem>>[vector<16xi32>], vector<16xi32>,
        tpu.vector_store_idx %arg8[%gather3A_305], %gather3A : memref<5152xi32, #tpu.memory_space<vmem>>[vector<16xi32>], vector<16xi32>,
        tpu.vector_store_idx %arg10[%gather3A_305], %gather3A_295 : memref<5152xi32, #tpu.memory_space<vmem>>[vector<16xi32>], vector<16xi32>,
        tpu.vector_store_idx %arg11[%add3A_304], %broadcast_in_dim3A_1 {add = true} : memref<1024xi32, #tpu.memory_space<vmem>>[vector<16xi32>], vector<16xi32>,
        %while3A_306 = arith.constant 0 : i32
        scf.yield %while3A_306 : i32
      }
      %while3A_140 = arith.constant 1 : i32
      %while3A_141 = scf.for %while3A_289 = %while3A_137 to %while3A_133 step %while3A_140 iter_args(%while3A_290 = %while3A_139) -> (i32)  : i32 {
        %mul3A_291 = vector.broadcast %shift_right_arithmetic3A_66 : i32 to vector<16xi32>
        %mul3A_292 = arith.muli %iota3A, %mul3A_291 : vector<16xi32>
        %add3A_293 = vector.broadcast %while3A_289 : i32 to vector<16xi32>
        %add3A_294 = arith.addi %mul3A_292, %add3A_293 : vector<16xi32>
        %gather3A = tpu.vector_load_idx %arg7[%add3A_294] : memref<5152xi32, #tpu.memory_space<vmem>>[vector<16xi32>], vector<16xi32>,
        %gather3A_295 = tpu.vector_load_idx %arg9[%add3A_294] : memref<5152xi32, #tpu.memory_space<vmem>>[vector<16xi32>], vector<16xi32>,
        %shift_right_logical3A = arith.constant 5 : i32
        %shift_right_logical3A_296 = vector.broadcast %shift_right_logical3A : i32 to vector<16xi32>
        %shift_right_logical3A_297 = arith.shrui %gather3A, %shift_right_logical3A_296 : vector<16xi32>
        %and3A_298 = arith.constant 31 : i32
        %and3A_299 = vector.broadcast %and3A_298 : i32 to vector<16xi32>
        %and3A_300 = arith.andi %shift_right_logical3A_297, %and3A_299 : vector<16xi32>
        %mul3A_301 = arith.constant 32 : i32
        %mul3A_302 = vector.broadcast %mul3A_301 : i32 to vector<16xi32>
        %mul3A_303 = arith.muli %iota3A, %mul3A_302 : vector<16xi32>
        %add3A_304 = arith.addi %mul3A_303, %and3A_300 : vector<16xi32>
        %gather3A_305 = tpu.vector_load_idx %arg11[%add3A_304] : memref<1024xi32, #tpu.memory_space<vmem>>[vector<16xi32>], vector<16xi32>,
        tpu.vector_store_idx %arg8[%gather3A_305], %gather3A : memref<5152xi32, #tpu.memory_space<vmem>>[vector<16xi32>], vector<16xi32>,
        tpu.vector_store_idx %arg10[%gather3A_305], %gather3A_295 : memref<5152xi32, #tpu.memory_space<vmem>>[vector<16xi32>], vector<16xi32>,
        tpu.vector_store_idx %arg11[%add3A_304], %broadcast_in_dim3A_1 {add = true} : memref<1024xi32, #tpu.memory_space<vmem>>[vector<16xi32>], vector<16xi32>,
        %while3A_306 = arith.constant 0 : i32
        scf.yield %while3A_306 : i32
      }
      %scan3A_142 = arith.constant 0 : i32
      %scan3A_143 = arith.constant 0 : i32
      %scan3A_144 = arith.constant 32 : i32
      %scan3A_145 = arith.addi %scan3A_143, %scan3A_144 : i32
      %scan3A_146 = arith.constant 1 : i32
      %scan3A_147 = scf.for %scan3A_289 = %scan3A_143 to %scan3A_145 step %scan3A_146 iter_args(%scan3A_290 = %scan3A_142) -> (i32)  : i32 {
        %mul3A_291 = arith.constant 16 : i32
        %mul3A_292 = arith.muli %scan3A_289, %mul3A_291 : i32
        %swap3A_293 = arith.index_cast %mul3A_292 : i32 to index
        %swap3A_294 = tpu.vector_load %arg11[%swap3A_293] {strides = array<i32>} : memref<1024xi32, #tpu.memory_space<vmem>>, vector<16xi32>,
        tpu.vector_store %arg11[%swap3A_293], %broadcast_in_dim3A_5 {strides = array<i32>} : memref<1024xi32, #tpu.memory_space<vmem>>, vector<16xi32>,
        %scan3A_295 = arith.constant 0 : i32
        scf.yield %scan3A_295 : i32
      }
      %scan3A_148 = arith.constant 32 : i32
      %while3A_149 = arith.constant 0 : i32
      %while3A_150 = arith.constant 0 : i32
      %while3A_151 = arith.subi %shift_right_arithmetic3A_66, %while3A_149 : i32
      %while3A_152 = arith.addi %while3A_149, %while3A_151 : i32
      %while3A_153 = arith.constant 1 : i32
      %while3A_154 = arith.divsi %while3A_151, %while3A_153 : i32
      %while3A_155 = arith.muli %while3A_154, %while3A_153 : i32
      %while3A_156 = arith.addi %while3A_149, %while3A_155 : i32
      %while3A_157 = arith.constant 1 : i32
      %while3A_158 = scf.for %while3A_289 = %while3A_149 to %while3A_156 step %while3A_157 iter_args(%while3A_290 = %while3A_150) -> (i32)  : i32 {
        %mul3A_291 = vector.broadcast %shift_right_arithmetic3A_66 : i32 to vector<16xi32>
        %mul3A_292 = arith.muli %iota3A, %mul3A_291 : vector<16xi32>
        %add3A_293 = vector.broadcast %while3A_289 : i32 to vector<16xi32>
        %add3A_294 = arith.addi %mul3A_292, %add3A_293 : vector<16xi32>
        %gather3A = tpu.vector_load_idx %arg8[%add3A_294] : memref<5152xi32, #tpu.memory_space<vmem>>[vector<16xi32>], vector<16xi32>,
        %shift_right_logical3A = arith.constant 10 : i32
        %shift_right_logical3A_295 = vector.broadcast %shift_right_logical3A : i32 to vector<16xi32>
        %shift_right_logical3A_296 = arith.shrui %gather3A, %shift_right_logical3A_295 : vector<16xi32>
        %and3A_297 = arith.constant 31 : i32
        %and3A_298 = vector.broadcast %and3A_297 : i32 to vector<16xi32>
        %and3A_299 = arith.andi %shift_right_logical3A_296, %and3A_298 : vector<16xi32>
        %mul3A_300 = arith.constant 32 : i32
        %mul3A_301 = vector.broadcast %mul3A_300 : i32 to vector<16xi32>
        %mul3A_302 = arith.muli %iota3A, %mul3A_301 : vector<16xi32>
        %add3A_303 = arith.addi %mul3A_302, %and3A_299 : vector<16xi32>
        tpu.vector_store_idx %arg11[%add3A_303], %broadcast_in_dim3A_1 {add = true} : memref<1024xi32, #tpu.memory_space<vmem>>[vector<16xi32>], vector<16xi32>,
        %while3A_304 = arith.constant 0 : i32
        scf.yield %while3A_304 : i32
      }
      %while3A_159 = arith.constant 1 : i32
      %while3A_160 = scf.for %while3A_289 = %while3A_156 to %while3A_152 step %while3A_159 iter_args(%while3A_290 = %while3A_158) -> (i32)  : i32 {
        %mul3A_291 = vector.broadcast %shift_right_arithmetic3A_66 : i32 to vector<16xi32>
        %mul3A_292 = arith.muli %iota3A, %mul3A_291 : vector<16xi32>
        %add3A_293 = vector.broadcast %while3A_289 : i32 to vector<16xi32>
        %add3A_294 = arith.addi %mul3A_292, %add3A_293 : vector<16xi32>
        %gather3A = tpu.vector_load_idx %arg8[%add3A_294] : memref<5152xi32, #tpu.memory_space<vmem>>[vector<16xi32>], vector<16xi32>,
        %shift_right_logical3A = arith.constant 10 : i32
        %shift_right_logical3A_295 = vector.broadcast %shift_right_logical3A : i32 to vector<16xi32>
        %shift_right_logical3A_296 = arith.shrui %gather3A, %shift_right_logical3A_295 : vector<16xi32>
        %and3A_297 = arith.constant 31 : i32
        %and3A_298 = vector.broadcast %and3A_297 : i32 to vector<16xi32>
        %and3A_299 = arith.andi %shift_right_logical3A_296, %and3A_298 : vector<16xi32>
        %mul3A_300 = arith.constant 32 : i32
        %mul3A_301 = vector.broadcast %mul3A_300 : i32 to vector<16xi32>
        %mul3A_302 = arith.muli %iota3A, %mul3A_301 : vector<16xi32>
        %add3A_303 = arith.addi %mul3A_302, %and3A_299 : vector<16xi32>
        tpu.vector_store_idx %arg11[%add3A_303], %broadcast_in_dim3A_1 {add = true} : memref<1024xi32, #tpu.memory_space<vmem>>[vector<16xi32>], vector<16xi32>,
        %while3A_304 = arith.constant 0 : i32
        scf.yield %while3A_304 : i32
      }
      %scan3A_161 = arith.constant 0 : i32
      %scan3A_162 = arith.constant 0 : i32
      %scan3A_163 = arith.constant 32 : i32
      %scan3A_164 = arith.addi %scan3A_162, %scan3A_163 : i32
      %scan3A_165 = arith.constant 1 : i32
      %scan3A_166 = scf.for %scan3A_289 = %scan3A_162 to %scan3A_164 step %scan3A_165 iter_args(%scan3A_290 = %scan3A_161) -> (i32)  : i32 {
        %mul3A_291 = arith.constant 32 : i32
        %mul3A_292 = vector.broadcast %mul3A_291 : i32 to vector<16xi32>
        %mul3A_293 = arith.muli %iota3A, %mul3A_292 : vector<16xi32>
        %add3A_294 = vector.broadcast %scan3A_289 : i32 to vector<16xi32>
        %add3A_295 = arith.addi %mul3A_293, %add3A_294 : vector<16xi32>
        %gather3A = tpu.vector_load_idx %arg11[%add3A_295] : memref<1024xi32, #tpu.memory_space<vmem>>[vector<16xi32>], vector<16xi32>,
        %broadcast_in_dim3A_296 = arith.constant true
        %broadcast_in_dim3A_297 = vector.broadcast %broadcast_in_dim3A_296 : i1 to vector<16xi1>
        %masked_cumsum3A = tpu.scan <sum>, %gather3A masked %broadcast_in_dim3A_297 : vector<16xi32>, vector<16xi1> -> vector<16xi32>
        %sub3A = arith.subi %masked_cumsum3A, %gather3A : vector<16xi32>
        %add3A_298 = vector.broadcast %scan3A_290 : i32 to vector<16xi32>
        %add3A_299 = arith.addi %sub3A, %add3A_298 : vector<16xi32>
        tpu.vector_store_idx %arg11[%add3A_295], %add3A_299 : memref<1024xi32, #tpu.memory_space<vmem>>[vector<16xi32>], vector<16xi32>,
        %reduce_sum3A = arith.constant true
        %reduce_sum3A_300 = vector.broadcast %reduce_sum3A : i1 to vector<16xi1>
        %reduce_sum3A_301 = tpu.scan <sum>, %gather3A masked %reduce_sum3A_300 : vector<16xi32>, vector<16xi1> -> vector<16xi32>
        %reduce_sum3A_302 = vector.extract %reduce_sum3A_301[15] : i32 from vector<16xi32>
        %add3A_303 = arith.addi %scan3A_290, %reduce_sum3A_302 : i32
        scf.yield %add3A_303 : i32
      }
      %scan3A_167 = arith.constant 32 : i32
      %while3A_168 = arith.constant 0 : i32
      %while3A_169 = arith.constant 0 : i32
      %while3A_170 = arith.subi %shift_right_arithmetic3A_66, %while3A_168 : i32
      %while3A_171 = arith.addi %while3A_168, %while3A_170 : i32
      %while3A_172 = arith.constant 1 : i32
      %while3A_173 = arith.divsi %while3A_170, %while3A_172 : i32
      %while3A_174 = arith.muli %while3A_173, %while3A_172 : i32
      %while3A_175 = arith.addi %while3A_168, %while3A_174 : i32
      %while3A_176 = arith.constant 1 : i32
      %while3A_177 = scf.for %while3A_289 = %while3A_168 to %while3A_175 step %while3A_176 iter_args(%while3A_290 = %while3A_169) -> (i32)  : i32 {
        %mul3A_291 = vector.broadcast %shift_right_arithmetic3A_66 : i32 to vector<16xi32>
        %mul3A_292 = arith.muli %iota3A, %mul3A_291 : vector<16xi32>
        %add3A_293 = vector.broadcast %while3A_289 : i32 to vector<16xi32>
        %add3A_294 = arith.addi %mul3A_292, %add3A_293 : vector<16xi32>
        %gather3A = tpu.vector_load_idx %arg8[%add3A_294] : memref<5152xi32, #tpu.memory_space<vmem>>[vector<16xi32>], vector<16xi32>,
        %gather3A_295 = tpu.vector_load_idx %arg10[%add3A_294] : memref<5152xi32, #tpu.memory_space<vmem>>[vector<16xi32>], vector<16xi32>,
        %shift_right_logical3A = arith.constant 10 : i32
        %shift_right_logical3A_296 = vector.broadcast %shift_right_logical3A : i32 to vector<16xi32>
        %shift_right_logical3A_297 = arith.shrui %gather3A, %shift_right_logical3A_296 : vector<16xi32>
        %and3A_298 = arith.constant 31 : i32
        %and3A_299 = vector.broadcast %and3A_298 : i32 to vector<16xi32>
        %and3A_300 = arith.andi %shift_right_logical3A_297, %and3A_299 : vector<16xi32>
        %mul3A_301 = arith.constant 32 : i32
        %mul3A_302 = vector.broadcast %mul3A_301 : i32 to vector<16xi32>
        %mul3A_303 = arith.muli %iota3A, %mul3A_302 : vector<16xi32>
        %add3A_304 = arith.addi %mul3A_303, %and3A_300 : vector<16xi32>
        %gather3A_305 = tpu.vector_load_idx %arg11[%add3A_304] : memref<1024xi32, #tpu.memory_space<vmem>>[vector<16xi32>], vector<16xi32>,
        tpu.vector_store_idx %arg7[%gather3A_305], %gather3A : memref<5152xi32, #tpu.memory_space<vmem>>[vector<16xi32>], vector<16xi32>,
        tpu.vector_store_idx %arg9[%gather3A_305], %gather3A_295 : memref<5152xi32, #tpu.memory_space<vmem>>[vector<16xi32>], vector<16xi32>,
        tpu.vector_store_idx %arg11[%add3A_304], %broadcast_in_dim3A_1 {add = true} : memref<1024xi32, #tpu.memory_space<vmem>>[vector<16xi32>], vector<16xi32>,
        %while3A_306 = arith.constant 0 : i32
        scf.yield %while3A_306 : i32
      }
      %while3A_178 = arith.constant 1 : i32
      %while3A_179 = scf.for %while3A_289 = %while3A_175 to %while3A_171 step %while3A_178 iter_args(%while3A_290 = %while3A_177) -> (i32)  : i32 {
        %mul3A_291 = vector.broadcast %shift_right_arithmetic3A_66 : i32 to vector<16xi32>
        %mul3A_292 = arith.muli %iota3A, %mul3A_291 : vector<16xi32>
        %add3A_293 = vector.broadcast %while3A_289 : i32 to vector<16xi32>
        %add3A_294 = arith.addi %mul3A_292, %add3A_293 : vector<16xi32>
        %gather3A = tpu.vector_load_idx %arg8[%add3A_294] : memref<5152xi32, #tpu.memory_space<vmem>>[vector<16xi32>], vector<16xi32>,
        %gather3A_295 = tpu.vector_load_idx %arg10[%add3A_294] : memref<5152xi32, #tpu.memory_space<vmem>>[vector<16xi32>], vector<16xi32>,
        %shift_right_logical3A = arith.constant 10 : i32
        %shift_right_logical3A_296 = vector.broadcast %shift_right_logical3A : i32 to vector<16xi32>
        %shift_right_logical3A_297 = arith.shrui %gather3A, %shift_right_logical3A_296 : vector<16xi32>
        %and3A_298 = arith.constant 31 : i32
        %and3A_299 = vector.broadcast %and3A_298 : i32 to vector<16xi32>
        %and3A_300 = arith.andi %shift_right_logical3A_297, %and3A_299 : vector<16xi32>
        %mul3A_301 = arith.constant 32 : i32
        %mul3A_302 = vector.broadcast %mul3A_301 : i32 to vector<16xi32>
        %mul3A_303 = arith.muli %iota3A, %mul3A_302 : vector<16xi32>
        %add3A_304 = arith.addi %mul3A_303, %and3A_300 : vector<16xi32>
        %gather3A_305 = tpu.vector_load_idx %arg11[%add3A_304] : memref<1024xi32, #tpu.memory_space<vmem>>[vector<16xi32>], vector<16xi32>,
        tpu.vector_store_idx %arg7[%gather3A_305], %gather3A : memref<5152xi32, #tpu.memory_space<vmem>>[vector<16xi32>], vector<16xi32>,
        tpu.vector_store_idx %arg9[%gather3A_305], %gather3A_295 : memref<5152xi32, #tpu.memory_space<vmem>>[vector<16xi32>], vector<16xi32>,
        tpu.vector_store_idx %arg11[%add3A_304], %broadcast_in_dim3A_1 {add = true} : memref<1024xi32, #tpu.memory_space<vmem>>[vector<16xi32>], vector<16xi32>,
        %while3A_306 = arith.constant 0 : i32
        scf.yield %while3A_306 : i32
      }
      %scan3A_180 = arith.constant 0 : i32
      %scan3A_181 = arith.constant 0 : i32
      %scan3A_182 = arith.constant 32 : i32
      %scan3A_183 = arith.addi %scan3A_181, %scan3A_182 : i32
      %scan3A_184 = arith.constant 1 : i32
      %scan3A_185 = scf.for %scan3A_289 = %scan3A_181 to %scan3A_183 step %scan3A_184 iter_args(%scan3A_290 = %scan3A_180) -> (i32)  : i32 {
        %mul3A_291 = arith.constant 16 : i32
        %mul3A_292 = arith.muli %scan3A_289, %mul3A_291 : i32
        %swap3A_293 = arith.index_cast %mul3A_292 : i32 to index
        %swap3A_294 = tpu.vector_load %arg11[%swap3A_293] {strides = array<i32>} : memref<1024xi32, #tpu.memory_space<vmem>>, vector<16xi32>,
        tpu.vector_store %arg11[%swap3A_293], %broadcast_in_dim3A_5 {strides = array<i32>} : memref<1024xi32, #tpu.memory_space<vmem>>, vector<16xi32>,
        %scan3A_295 = arith.constant 0 : i32
        scf.yield %scan3A_295 : i32
      }
      %scan3A_186 = arith.constant 32 : i32
      %while3A_187 = arith.constant 0 : i32
      %while3A_188 = arith.constant 0 : i32
      %while3A_189 = arith.subi %shift_right_arithmetic3A_66, %while3A_187 : i32
      %while3A_190 = arith.addi %while3A_187, %while3A_189 : i32
      %while3A_191 = arith.constant 1 : i32
      %while3A_192 = arith.divsi %while3A_189, %while3A_191 : i32
      %while3A_193 = arith.muli %while3A_192, %while3A_191 : i32
      %while3A_194 = arith.addi %while3A_187, %while3A_193 : i32
      %while3A_195 = arith.constant 1 : i32
      %while3A_196 = scf.for %while3A_289 = %while3A_187 to %while3A_194 step %while3A_195 iter_args(%while3A_290 = %while3A_188) -> (i32)  : i32 {
        %mul3A_291 = vector.broadcast %shift_right_arithmetic3A_66 : i32 to vector<16xi32>
        %mul3A_292 = arith.muli %iota3A, %mul3A_291 : vector<16xi32>
        %add3A_293 = vector.broadcast %while3A_289 : i32 to vector<16xi32>
        %add3A_294 = arith.addi %mul3A_292, %add3A_293 : vector<16xi32>
        %gather3A = tpu.vector_load_idx %arg7[%add3A_294] : memref<5152xi32, #tpu.memory_space<vmem>>[vector<16xi32>], vector<16xi32>,
        %shift_right_logical3A = arith.constant 15 : i32
        %shift_right_logical3A_295 = vector.broadcast %shift_right_logical3A : i32 to vector<16xi32>
        %shift_right_logical3A_296 = arith.shrui %gather3A, %shift_right_logical3A_295 : vector<16xi32>
        %and3A_297 = arith.constant 31 : i32
        %and3A_298 = vector.broadcast %and3A_297 : i32 to vector<16xi32>
        %and3A_299 = arith.andi %shift_right_logical3A_296, %and3A_298 : vector<16xi32>
        %mul3A_300 = arith.constant 32 : i32
        %mul3A_301 = vector.broadcast %mul3A_300 : i32 to vector<16xi32>
        %mul3A_302 = arith.muli %iota3A, %mul3A_301 : vector<16xi32>
        %add3A_303 = arith.addi %mul3A_302, %and3A_299 : vector<16xi32>
        tpu.vector_store_idx %arg11[%add3A_303], %broadcast_in_dim3A_1 {add = true} : memref<1024xi32, #tpu.memory_space<vmem>>[vector<16xi32>], vector<16xi32>,
        %while3A_304 = arith.constant 0 : i32
        scf.yield %while3A_304 : i32
      }
      %while3A_197 = arith.constant 1 : i32
      %while3A_198 = scf.for %while3A_289 = %while3A_194 to %while3A_190 step %while3A_197 iter_args(%while3A_290 = %while3A_196) -> (i32)  : i32 {
        %mul3A_291 = vector.broadcast %shift_right_arithmetic3A_66 : i32 to vector<16xi32>
        %mul3A_292 = arith.muli %iota3A, %mul3A_291 : vector<16xi32>
        %add3A_293 = vector.broadcast %while3A_289 : i32 to vector<16xi32>
        %add3A_294 = arith.addi %mul3A_292, %add3A_293 : vector<16xi32>
        %gather3A = tpu.vector_load_idx %arg7[%add3A_294] : memref<5152xi32, #tpu.memory_space<vmem>>[vector<16xi32>], vector<16xi32>,
        %shift_right_logical3A = arith.constant 15 : i32
        %shift_right_logical3A_295 = vector.broadcast %shift_right_logical3A : i32 to vector<16xi32>
        %shift_right_logical3A_296 = arith.shrui %gather3A, %shift_right_logical3A_295 : vector<16xi32>
        %and3A_297 = arith.constant 31 : i32
        %and3A_298 = vector.broadcast %and3A_297 : i32 to vector<16xi32>
        %and3A_299 = arith.andi %shift_right_logical3A_296, %and3A_298 : vector<16xi32>
        %mul3A_300 = arith.constant 32 : i32
        %mul3A_301 = vector.broadcast %mul3A_300 : i32 to vector<16xi32>
        %mul3A_302 = arith.muli %iota3A, %mul3A_301 : vector<16xi32>
        %add3A_303 = arith.addi %mul3A_302, %and3A_299 : vector<16xi32>
        tpu.vector_store_idx %arg11[%add3A_303], %broadcast_in_dim3A_1 {add = true} : memref<1024xi32, #tpu.memory_space<vmem>>[vector<16xi32>], vector<16xi32>,
        %while3A_304 = arith.constant 0 : i32
        scf.yield %while3A_304 : i32
      }
      %scan3A_199 = arith.constant 0 : i32
      %scan3A_200 = arith.constant 0 : i32
      %scan3A_201 = arith.constant 32 : i32
      %scan3A_202 = arith.addi %scan3A_200, %scan3A_201 : i32
      %scan3A_203 = arith.constant 1 : i32
      %scan3A_204 = scf.for %scan3A_289 = %scan3A_200 to %scan3A_202 step %scan3A_203 iter_args(%scan3A_290 = %scan3A_199) -> (i32)  : i32 {
        %mul3A_291 = arith.constant 32 : i32
        %mul3A_292 = vector.broadcast %mul3A_291 : i32 to vector<16xi32>
        %mul3A_293 = arith.muli %iota3A, %mul3A_292 : vector<16xi32>
        %add3A_294 = vector.broadcast %scan3A_289 : i32 to vector<16xi32>
        %add3A_295 = arith.addi %mul3A_293, %add3A_294 : vector<16xi32>
        %gather3A = tpu.vector_load_idx %arg11[%add3A_295] : memref<1024xi32, #tpu.memory_space<vmem>>[vector<16xi32>], vector<16xi32>,
        %broadcast_in_dim3A_296 = arith.constant true
        %broadcast_in_dim3A_297 = vector.broadcast %broadcast_in_dim3A_296 : i1 to vector<16xi1>
        %masked_cumsum3A = tpu.scan <sum>, %gather3A masked %broadcast_in_dim3A_297 : vector<16xi32>, vector<16xi1> -> vector<16xi32>
        %sub3A = arith.subi %masked_cumsum3A, %gather3A : vector<16xi32>
        %add3A_298 = vector.broadcast %scan3A_290 : i32 to vector<16xi32>
        %add3A_299 = arith.addi %sub3A, %add3A_298 : vector<16xi32>
        tpu.vector_store_idx %arg11[%add3A_295], %add3A_299 : memref<1024xi32, #tpu.memory_space<vmem>>[vector<16xi32>], vector<16xi32>,
        %reduce_sum3A = arith.constant true
        %reduce_sum3A_300 = vector.broadcast %reduce_sum3A : i1 to vector<16xi1>
        %reduce_sum3A_301 = tpu.scan <sum>, %gather3A masked %reduce_sum3A_300 : vector<16xi32>, vector<16xi1> -> vector<16xi32>
        %reduce_sum3A_302 = vector.extract %reduce_sum3A_301[15] : i32 from vector<16xi32>
        %add3A_303 = arith.addi %scan3A_290, %reduce_sum3A_302 : i32
        scf.yield %add3A_303 : i32
      }
      %scan3A_205 = arith.constant 32 : i32
      %while3A_206 = arith.constant 0 : i32
      %while3A_207 = arith.constant 0 : i32
      %while3A_208 = arith.subi %shift_right_arithmetic3A_66, %while3A_206 : i32
      %while3A_209 = arith.addi %while3A_206, %while3A_208 : i32
      %while3A_210 = arith.constant 1 : i32
      %while3A_211 = arith.divsi %while3A_208, %while3A_210 : i32
      %while3A_212 = arith.muli %while3A_211, %while3A_210 : i32
      %while3A_213 = arith.addi %while3A_206, %while3A_212 : i32
      %while3A_214 = arith.constant 1 : i32
      %while3A_215 = scf.for %while3A_289 = %while3A_206 to %while3A_213 step %while3A_214 iter_args(%while3A_290 = %while3A_207) -> (i32)  : i32 {
        %mul3A_291 = vector.broadcast %shift_right_arithmetic3A_66 : i32 to vector<16xi32>
        %mul3A_292 = arith.muli %iota3A, %mul3A_291 : vector<16xi32>
        %add3A_293 = vector.broadcast %while3A_289 : i32 to vector<16xi32>
        %add3A_294 = arith.addi %mul3A_292, %add3A_293 : vector<16xi32>
        %gather3A = tpu.vector_load_idx %arg7[%add3A_294] : memref<5152xi32, #tpu.memory_space<vmem>>[vector<16xi32>], vector<16xi32>,
        %gather3A_295 = tpu.vector_load_idx %arg9[%add3A_294] : memref<5152xi32, #tpu.memory_space<vmem>>[vector<16xi32>], vector<16xi32>,
        %shift_right_logical3A = arith.constant 15 : i32
        %shift_right_logical3A_296 = vector.broadcast %shift_right_logical3A : i32 to vector<16xi32>
        %shift_right_logical3A_297 = arith.shrui %gather3A, %shift_right_logical3A_296 : vector<16xi32>
        %and3A_298 = arith.constant 31 : i32
        %and3A_299 = vector.broadcast %and3A_298 : i32 to vector<16xi32>
        %and3A_300 = arith.andi %shift_right_logical3A_297, %and3A_299 : vector<16xi32>
        %mul3A_301 = arith.constant 32 : i32
        %mul3A_302 = vector.broadcast %mul3A_301 : i32 to vector<16xi32>
        %mul3A_303 = arith.muli %iota3A, %mul3A_302 : vector<16xi32>
        %add3A_304 = arith.addi %mul3A_303, %and3A_300 : vector<16xi32>
        %gather3A_305 = tpu.vector_load_idx %arg11[%add3A_304] : memref<1024xi32, #tpu.memory_space<vmem>>[vector<16xi32>], vector<16xi32>,
        tpu.vector_store_idx %arg8[%gather3A_305], %gather3A : memref<5152xi32, #tpu.memory_space<vmem>>[vector<16xi32>], vector<16xi32>,
        tpu.vector_store_idx %arg10[%gather3A_305], %gather3A_295 : memref<5152xi32, #tpu.memory_space<vmem>>[vector<16xi32>], vector<16xi32>,
        tpu.vector_store_idx %arg11[%add3A_304], %broadcast_in_dim3A_1 {add = true} : memref<1024xi32, #tpu.memory_space<vmem>>[vector<16xi32>], vector<16xi32>,
        %while3A_306 = arith.constant 0 : i32
        scf.yield %while3A_306 : i32
      }
      %while3A_216 = arith.constant 1 : i32
      %while3A_217 = scf.for %while3A_289 = %while3A_213 to %while3A_209 step %while3A_216 iter_args(%while3A_290 = %while3A_215) -> (i32)  : i32 {
        %mul3A_291 = vector.broadcast %shift_right_arithmetic3A_66 : i32 to vector<16xi32>
        %mul3A_292 = arith.muli %iota3A, %mul3A_291 : vector<16xi32>
        %add3A_293 = vector.broadcast %while3A_289 : i32 to vector<16xi32>
        %add3A_294 = arith.addi %mul3A_292, %add3A_293 : vector<16xi32>
        %gather3A = tpu.vector_load_idx %arg7[%add3A_294] : memref<5152xi32, #tpu.memory_space<vmem>>[vector<16xi32>], vector<16xi32>,
        %gather3A_295 = tpu.vector_load_idx %arg9[%add3A_294] : memref<5152xi32, #tpu.memory_space<vmem>>[vector<16xi32>], vector<16xi32>,
        %shift_right_logical3A = arith.constant 15 : i32
        %shift_right_logical3A_296 = vector.broadcast %shift_right_logical3A : i32 to vector<16xi32>
        %shift_right_logical3A_297 = arith.shrui %gather3A, %shift_right_logical3A_296 : vector<16xi32>
        %and3A_298 = arith.constant 31 : i32
        %and3A_299 = vector.broadcast %and3A_298 : i32 to vector<16xi32>
        %and3A_300 = arith.andi %shift_right_logical3A_297, %and3A_299 : vector<16xi32>
        %mul3A_301 = arith.constant 32 : i32
        %mul3A_302 = vector.broadcast %mul3A_301 : i32 to vector<16xi32>
        %mul3A_303 = arith.muli %iota3A, %mul3A_302 : vector<16xi32>
        %add3A_304 = arith.addi %mul3A_303, %and3A_300 : vector<16xi32>
        %gather3A_305 = tpu.vector_load_idx %arg11[%add3A_304] : memref<1024xi32, #tpu.memory_space<vmem>>[vector<16xi32>], vector<16xi32>,
        tpu.vector_store_idx %arg8[%gather3A_305], %gather3A : memref<5152xi32, #tpu.memory_space<vmem>>[vector<16xi32>], vector<16xi32>,
        tpu.vector_store_idx %arg10[%gather3A_305], %gather3A_295 : memref<5152xi32, #tpu.memory_space<vmem>>[vector<16xi32>], vector<16xi32>,
        tpu.vector_store_idx %arg11[%add3A_304], %broadcast_in_dim3A_1 {add = true} : memref<1024xi32, #tpu.memory_space<vmem>>[vector<16xi32>], vector<16xi32>,
        %while3A_306 = arith.constant 0 : i32
        scf.yield %while3A_306 : i32
      }
      %scan3A_218 = arith.constant 0 : i32
      %scan3A_219 = arith.constant 0 : i32
      %scan3A_220 = arith.constant 64 : i32
      %scan3A_221 = arith.addi %scan3A_219, %scan3A_220 : i32
      %scan3A_222 = arith.constant 1 : i32
      %scan3A_223 = scf.for %scan3A_289 = %scan3A_219 to %scan3A_221 step %scan3A_222 iter_args(%scan3A_290 = %scan3A_218) -> (i32)  : i32 {
        %mul3A_291 = arith.constant 16 : i32
        %mul3A_292 = arith.muli %scan3A_289, %mul3A_291 : i32
        %swap3A_293 = arith.index_cast %mul3A_292 : i32 to index
        %swap3A_294 = tpu.vector_load %arg11[%swap3A_293] {strides = array<i32>} : memref<1024xi32, #tpu.memory_space<vmem>>, vector<16xi32>,
        tpu.vector_store %arg11[%swap3A_293], %broadcast_in_dim3A_5 {strides = array<i32>} : memref<1024xi32, #tpu.memory_space<vmem>>, vector<16xi32>,
        %scan3A_295 = arith.constant 0 : i32
        scf.yield %scan3A_295 : i32
      }
      %scan3A_224 = arith.constant 64 : i32
      %while3A_225 = arith.constant 0 : i32
      %while3A_226 = arith.constant 0 : i32
      %while3A_227 = arith.subi %shift_right_arithmetic3A_66, %while3A_225 : i32
      %while3A_228 = arith.addi %while3A_225, %while3A_227 : i32
      %while3A_229 = arith.constant 1 : i32
      %while3A_230 = arith.divsi %while3A_227, %while3A_229 : i32
      %while3A_231 = arith.muli %while3A_230, %while3A_229 : i32
      %while3A_232 = arith.addi %while3A_225, %while3A_231 : i32
      %while3A_233 = arith.constant 1 : i32
      %while3A_234 = scf.for %while3A_289 = %while3A_225 to %while3A_232 step %while3A_233 iter_args(%while3A_290 = %while3A_226) -> (i32)  : i32 {
        %mul3A_291 = vector.broadcast %shift_right_arithmetic3A_66 : i32 to vector<16xi32>
        %mul3A_292 = arith.muli %iota3A, %mul3A_291 : vector<16xi32>
        %add3A_293 = vector.broadcast %while3A_289 : i32 to vector<16xi32>
        %add3A_294 = arith.addi %mul3A_292, %add3A_293 : vector<16xi32>
        %gather3A = tpu.vector_load_idx %arg8[%add3A_294] : memref<5152xi32, #tpu.memory_space<vmem>>[vector<16xi32>], vector<16xi32>,
        %shift_right_logical3A = arith.constant 20 : i32
        %shift_right_logical3A_295 = vector.broadcast %shift_right_logical3A : i32 to vector<16xi32>
        %shift_right_logical3A_296 = arith.shrui %gather3A, %shift_right_logical3A_295 : vector<16xi32>
        %and3A_297 = arith.constant 63 : i32
        %and3A_298 = vector.broadcast %and3A_297 : i32 to vector<16xi32>
        %and3A_299 = arith.andi %shift_right_logical3A_296, %and3A_298 : vector<16xi32>
        %mul3A_300 = arith.constant 64 : i32
        %mul3A_301 = vector.broadcast %mul3A_300 : i32 to vector<16xi32>
        %mul3A_302 = arith.muli %iota3A, %mul3A_301 : vector<16xi32>
        %add3A_303 = arith.addi %mul3A_302, %and3A_299 : vector<16xi32>
        tpu.vector_store_idx %arg11[%add3A_303], %broadcast_in_dim3A_1 {add = true} : memref<1024xi32, #tpu.memory_space<vmem>>[vector<16xi32>], vector<16xi32>,
        %while3A_304 = arith.constant 0 : i32
        scf.yield %while3A_304 : i32
      }
      %while3A_235 = arith.constant 1 : i32
      %while3A_236 = scf.for %while3A_289 = %while3A_232 to %while3A_228 step %while3A_235 iter_args(%while3A_290 = %while3A_234) -> (i32)  : i32 {
        %mul3A_291 = vector.broadcast %shift_right_arithmetic3A_66 : i32 to vector<16xi32>
        %mul3A_292 = arith.muli %iota3A, %mul3A_291 : vector<16xi32>
        %add3A_293 = vector.broadcast %while3A_289 : i32 to vector<16xi32>
        %add3A_294 = arith.addi %mul3A_292, %add3A_293 : vector<16xi32>
        %gather3A = tpu.vector_load_idx %arg8[%add3A_294] : memref<5152xi32, #tpu.memory_space<vmem>>[vector<16xi32>], vector<16xi32>,
        %shift_right_logical3A = arith.constant 20 : i32
        %shift_right_logical3A_295 = vector.broadcast %shift_right_logical3A : i32 to vector<16xi32>
        %shift_right_logical3A_296 = arith.shrui %gather3A, %shift_right_logical3A_295 : vector<16xi32>
        %and3A_297 = arith.constant 63 : i32
        %and3A_298 = vector.broadcast %and3A_297 : i32 to vector<16xi32>
        %and3A_299 = arith.andi %shift_right_logical3A_296, %and3A_298 : vector<16xi32>
        %mul3A_300 = arith.constant 64 : i32
        %mul3A_301 = vector.broadcast %mul3A_300 : i32 to vector<16xi32>
        %mul3A_302 = arith.muli %iota3A, %mul3A_301 : vector<16xi32>
        %add3A_303 = arith.addi %mul3A_302, %and3A_299 : vector<16xi32>
        tpu.vector_store_idx %arg11[%add3A_303], %broadcast_in_dim3A_1 {add = true} : memref<1024xi32, #tpu.memory_space<vmem>>[vector<16xi32>], vector<16xi32>,
        %while3A_304 = arith.constant 0 : i32
        scf.yield %while3A_304 : i32
      }
      %scan3A_237 = arith.constant 0 : i32
      %scan3A_238 = arith.constant 0 : i32
      %scan3A_239 = arith.constant 64 : i32
      %scan3A_240 = arith.addi %scan3A_238, %scan3A_239 : i32
      %scan3A_241 = arith.constant 1 : i32
      %scan3A_242 = scf.for %scan3A_289 = %scan3A_238 to %scan3A_240 step %scan3A_241 iter_args(%scan3A_290 = %scan3A_237) -> (i32)  : i32 {
        %mul3A_291 = arith.constant 64 : i32
        %mul3A_292 = vector.broadcast %mul3A_291 : i32 to vector<16xi32>
        %mul3A_293 = arith.muli %iota3A, %mul3A_292 : vector<16xi32>
        %add3A_294 = vector.broadcast %scan3A_289 : i32 to vector<16xi32>
        %add3A_295 = arith.addi %mul3A_293, %add3A_294 : vector<16xi32>
        %gather3A = tpu.vector_load_idx %arg11[%add3A_295] : memref<1024xi32, #tpu.memory_space<vmem>>[vector<16xi32>], vector<16xi32>,
        %broadcast_in_dim3A_296 = arith.constant true
        %broadcast_in_dim3A_297 = vector.broadcast %broadcast_in_dim3A_296 : i1 to vector<16xi1>
        %masked_cumsum3A = tpu.scan <sum>, %gather3A masked %broadcast_in_dim3A_297 : vector<16xi32>, vector<16xi1> -> vector<16xi32>
        %sub3A = arith.subi %masked_cumsum3A, %gather3A : vector<16xi32>
        %add3A_298 = vector.broadcast %scan3A_290 : i32 to vector<16xi32>
        %add3A_299 = arith.addi %sub3A, %add3A_298 : vector<16xi32>
        tpu.vector_store_idx %arg11[%add3A_295], %add3A_299 : memref<1024xi32, #tpu.memory_space<vmem>>[vector<16xi32>], vector<16xi32>,
        %reduce_sum3A = arith.constant true
        %reduce_sum3A_300 = vector.broadcast %reduce_sum3A : i1 to vector<16xi1>
        %reduce_sum3A_301 = tpu.scan <sum>, %gather3A masked %reduce_sum3A_300 : vector<16xi32>, vector<16xi1> -> vector<16xi32>
        %reduce_sum3A_302 = vector.extract %reduce_sum3A_301[15] : i32 from vector<16xi32>
        %add3A_303 = arith.addi %scan3A_290, %reduce_sum3A_302 : i32
        scf.yield %add3A_303 : i32
      }
      %scan3A_243 = arith.constant 64 : i32
      %while3A_244 = arith.constant 0 : i32
      %while3A_245 = arith.constant 0 : i32
      %while3A_246 = arith.subi %shift_right_arithmetic3A_66, %while3A_244 : i32
      %while3A_247 = arith.addi %while3A_244, %while3A_246 : i32
      %while3A_248 = arith.constant 1 : i32
      %while3A_249 = arith.divsi %while3A_246, %while3A_248 : i32
      %while3A_250 = arith.muli %while3A_249, %while3A_248 : i32
      %while3A_251 = arith.addi %while3A_244, %while3A_250 : i32
      %while3A_252 = arith.constant 1 : i32
      %while3A_253 = scf.for %while3A_289 = %while3A_244 to %while3A_251 step %while3A_252 iter_args(%while3A_290 = %while3A_245) -> (i32)  : i32 {
        %mul3A_291 = vector.broadcast %shift_right_arithmetic3A_66 : i32 to vector<16xi32>
        %mul3A_292 = arith.muli %iota3A, %mul3A_291 : vector<16xi32>
        %add3A_293 = vector.broadcast %while3A_289 : i32 to vector<16xi32>
        %add3A_294 = arith.addi %mul3A_292, %add3A_293 : vector<16xi32>
        %gather3A = tpu.vector_load_idx %arg8[%add3A_294] : memref<5152xi32, #tpu.memory_space<vmem>>[vector<16xi32>], vector<16xi32>,
        %gather3A_295 = tpu.vector_load_idx %arg10[%add3A_294] : memref<5152xi32, #tpu.memory_space<vmem>>[vector<16xi32>], vector<16xi32>,
        %shift_right_logical3A = arith.constant 20 : i32
        %shift_right_logical3A_296 = vector.broadcast %shift_right_logical3A : i32 to vector<16xi32>
        %shift_right_logical3A_297 = arith.shrui %gather3A, %shift_right_logical3A_296 : vector<16xi32>
        %and3A_298 = arith.constant 63 : i32
        %and3A_299 = vector.broadcast %and3A_298 : i32 to vector<16xi32>
        %and3A_300 = arith.andi %shift_right_logical3A_297, %and3A_299 : vector<16xi32>
        %mul3A_301 = arith.constant 64 : i32
        %mul3A_302 = vector.broadcast %mul3A_301 : i32 to vector<16xi32>
        %mul3A_303 = arith.muli %iota3A, %mul3A_302 : vector<16xi32>
        %add3A_304 = arith.addi %mul3A_303, %and3A_300 : vector<16xi32>
        %gather3A_305 = tpu.vector_load_idx %arg11[%add3A_304] : memref<1024xi32, #tpu.memory_space<vmem>>[vector<16xi32>], vector<16xi32>,
        tpu.vector_store_idx %arg7[%gather3A_305], %gather3A : memref<5152xi32, #tpu.memory_space<vmem>>[vector<16xi32>], vector<16xi32>,
        tpu.vector_store_idx %arg9[%gather3A_305], %gather3A_295 : memref<5152xi32, #tpu.memory_space<vmem>>[vector<16xi32>], vector<16xi32>,
        tpu.vector_store_idx %arg11[%add3A_304], %broadcast_in_dim3A_1 {add = true} : memref<1024xi32, #tpu.memory_space<vmem>>[vector<16xi32>], vector<16xi32>,
        %while3A_306 = arith.constant 0 : i32
        scf.yield %while3A_306 : i32
      }
      %while3A_254 = arith.constant 1 : i32
      %while3A_255 = scf.for %while3A_289 = %while3A_251 to %while3A_247 step %while3A_254 iter_args(%while3A_290 = %while3A_253) -> (i32)  : i32 {
        %mul3A_291 = vector.broadcast %shift_right_arithmetic3A_66 : i32 to vector<16xi32>
        %mul3A_292 = arith.muli %iota3A, %mul3A_291 : vector<16xi32>
        %add3A_293 = vector.broadcast %while3A_289 : i32 to vector<16xi32>
        %add3A_294 = arith.addi %mul3A_292, %add3A_293 : vector<16xi32>
        %gather3A = tpu.vector_load_idx %arg8[%add3A_294] : memref<5152xi32, #tpu.memory_space<vmem>>[vector<16xi32>], vector<16xi32>,
        %gather3A_295 = tpu.vector_load_idx %arg10[%add3A_294] : memref<5152xi32, #tpu.memory_space<vmem>>[vector<16xi32>], vector<16xi32>,
        %shift_right_logical3A = arith.constant 20 : i32
        %shift_right_logical3A_296 = vector.broadcast %shift_right_logical3A : i32 to vector<16xi32>
        %shift_right_logical3A_297 = arith.shrui %gather3A, %shift_right_logical3A_296 : vector<16xi32>
        %and3A_298 = arith.constant 63 : i32
        %and3A_299 = vector.broadcast %and3A_298 : i32 to vector<16xi32>
        %and3A_300 = arith.andi %shift_right_logical3A_297, %and3A_299 : vector<16xi32>
        %mul3A_301 = arith.constant 64 : i32
        %mul3A_302 = vector.broadcast %mul3A_301 : i32 to vector<16xi32>
        %mul3A_303 = arith.muli %iota3A, %mul3A_302 : vector<16xi32>
        %add3A_304 = arith.addi %mul3A_303, %and3A_300 : vector<16xi32>
        %gather3A_305 = tpu.vector_load_idx %arg11[%add3A_304] : memref<1024xi32, #tpu.memory_space<vmem>>[vector<16xi32>], vector<16xi32>,
        tpu.vector_store_idx %arg7[%gather3A_305], %gather3A : memref<5152xi32, #tpu.memory_space<vmem>>[vector<16xi32>], vector<16xi32>,
        tpu.vector_store_idx %arg9[%gather3A_305], %gather3A_295 : memref<5152xi32, #tpu.memory_space<vmem>>[vector<16xi32>], vector<16xi32>,
        tpu.vector_store_idx %arg11[%add3A_304], %broadcast_in_dim3A_1 {add = true} : memref<1024xi32, #tpu.memory_space<vmem>>[vector<16xi32>], vector<16xi32>,
        %while3A_306 = arith.constant 0 : i32
        scf.yield %while3A_306 : i32
      }
      %scan3A_256 = arith.constant 0 : i32
      %scan3A_257 = arith.constant 0 : i32
      %scan3A_258 = arith.constant 64 : i32
      %scan3A_259 = arith.addi %scan3A_257, %scan3A_258 : i32
      %scan3A_260 = arith.constant 1 : i32
      %scan3A_261 = scf.for %scan3A_289 = %scan3A_257 to %scan3A_259 step %scan3A_260 iter_args(%scan3A_290 = %scan3A_256) -> (i32)  : i32 {
        %mul3A_291 = arith.constant 16 : i32
        %mul3A_292 = arith.muli %scan3A_289, %mul3A_291 : i32
        %add3A_293 = vector.broadcast %mul3A_292 : i32 to vector<16xi32>
        %add3A_294 = arith.addi %add3A_293, %iota3A : vector<16xi32>
        %lt3A_295 = vector.broadcast %scan3A_46 : i32 to vector<16xi32>
        %lt3A_296 = arith.cmpi slt, %add3A_294, %lt3A_295 : vector<16xi32>
        %get3A_297 = arith.index_cast %mul3A_292 : i32 to index
        %get3A_298 = tpu.vector_load %arg9[%get3A_297] {strides = array<i32>} : memref<5152xi32, #tpu.memory_space<vmem>>, vector<16xi32>,
        %jit3A_299 = arith.constant 0 : i32
        %broadcast_in_dim3A_300 = vector.broadcast %jit3A_299 : i32 to vector<16xi32>
        %select_n3A_301 = arith.select %lt3A_296, %get3A_298, %broadcast_in_dim3A_300 : vector<16xi1>, vector<16xi32>
        %gather3A = tpu.vector_load_idx %arg6[%broadcast_in_dim3A_5, %select_n3A_301] : memref<4x5120xf32, #tpu.memory_space<vmem>>[vector<16xi32>, vector<16xi32>], vector<16xf32>,
        %gather3A_302 = tpu.vector_load_idx %arg6[%broadcast_in_dim3A_1, %select_n3A_301] : memref<4x5120xf32, #tpu.memory_space<vmem>>[vector<16xi32>, vector<16xi32>], vector<16xf32>,
        %add3A_303 = arith.addi %broadcast_in_dim3A_1, %broadcast_in_dim3A_1 : vector<16xi32>
        %gather3A_304 = tpu.vector_load_idx %arg6[%add3A_303, %select_n3A_301] : memref<4x5120xf32, #tpu.memory_space<vmem>>[vector<16xi32>, vector<16xi32>], vector<16xf32>,
        %add3A_305 = arith.addi %broadcast_in_dim3A_1, %broadcast_in_dim3A_1 : vector<16xi32>
        %add3A_306 = arith.addi %add3A_305, %broadcast_in_dim3A_1 : vector<16xi32>
        %gather3A_307 = tpu.vector_load_idx %arg6[%add3A_306, %select_n3A_301] : memref<4x5120xf32, #tpu.memory_space<vmem>>[vector<16xi32>, vector<16xi32>], vector<16xf32>,
        %swap3A_308 = arith.index_cast %mul3A_292 : i32 to index
        %swap3A_309 = tpu.vector_load %arg12[%swap3A_308] {strides = array<i32>} : memref<1024xf32, #tpu.memory_space<vmem>>, vector<16xf32>,
        tpu.vector_store %arg12[%swap3A_308], %gather3A {strides = array<i32>} : memref<1024xf32, #tpu.memory_space<vmem>>, vector<16xf32>,
        %swap3A_310 = arith.index_cast %mul3A_292 : i32 to index
        %swap3A_311 = tpu.vector_load %arg13[%swap3A_310] {strides = array<i32>} : memref<1024xf32, #tpu.memory_space<vmem>>, vector<16xf32>,
        tpu.vector_store %arg13[%swap3A_310], %gather3A_302 {strides = array<i32>} : memref<1024xf32, #tpu.memory_space<vmem>>, vector<16xf32>,
        %swap3A_312 = arith.index_cast %mul3A_292 : i32 to index
        %swap3A_313 = tpu.vector_load %arg14[%swap3A_312] {strides = array<i32>} : memref<1024xf32, #tpu.memory_space<vmem>>, vector<16xf32>,
        tpu.vector_store %arg14[%swap3A_312], %gather3A_304 {strides = array<i32>} : memref<1024xf32, #tpu.memory_space<vmem>>, vector<16xf32>,
        %swap3A_314 = arith.index_cast %mul3A_292 : i32 to index
        %swap3A_315 = tpu.vector_load %arg15[%swap3A_314] {strides = array<i32>} : memref<1024xf32, #tpu.memory_space<vmem>>, vector<16xf32>,
        tpu.vector_store %arg15[%swap3A_314], %gather3A_307 {strides = array<i32>} : memref<1024xf32, #tpu.memory_space<vmem>>, vector<16xf32>,
        %sub3A = arith.subf %gather3A_304, %gather3A : vector<16xf32>
        %sub3A_316 = arith.subf %gather3A_307, %gather3A_302 : vector<16xf32>
        %mul3A_317 = arith.mulf %sub3A, %sub3A_316 : vector<16xf32>
        %swap3A_318 = arith.index_cast %mul3A_292 : i32 to index
        %swap3A_319 = tpu.vector_load %arg16[%swap3A_318] {strides = array<i32>} : memref<1024xf32, #tpu.memory_space<vmem>>, vector<16xf32>,
        tpu.vector_store %arg16[%swap3A_318], %mul3A_317 {strides = array<i32>} : memref<1024xf32, #tpu.memory_space<vmem>>, vector<16xf32>,
        %get3A_320 = arith.index_cast %mul3A_292 : i32 to index
        %get3A_321 = tpu.vector_load %arg7[%get3A_320] {strides = array<i32>} : memref<5152xi32, #tpu.memory_space<vmem>>, vector<16xi32>,
        %sub3A_322 = arith.constant 1065353216 : i32
        %sub3A_323 = vector.broadcast %sub3A_322 : i32 to vector<16xi32>
        %sub3A_324 = arith.subi %sub3A_323, %get3A_321 : vector<16xi32>
        %bitcast3A = vector.bitcast %sub3A_324 : vector<16xi32> to vector<16xf32>
        %jit3A_325 = arith.constant 0.000000e+00 : f32
        %broadcast_in_dim3A_326 = vector.broadcast %jit3A_325 : f32 to vector<16xf32>
        %select_n3A_327 = arith.select %lt3A_296, %bitcast3A, %broadcast_in_dim3A_326 : vector<16xi1>, vector<16xf32>
        %swap3A_328 = arith.index_cast %mul3A_292 : i32 to index
        %swap3A_329 = tpu.vector_load %arg17[%swap3A_328] {strides = array<i32>} : memref<1024xf32, #tpu.memory_space<vmem>>, vector<16xf32>,
        tpu.vector_store %arg17[%swap3A_328], %select_n3A_327 {strides = array<i32>} : memref<1024xf32, #tpu.memory_space<vmem>>, vector<16xf32>,
        %scan3A_330 = arith.constant 0 : i32
        scf.yield %scan3A_330 : i32
      }
      %scan3A_262 = arith.constant 64 : i32
      %scan3A_263 = arith.constant 0 : i32
      %scan3A_264 = arith.constant 0 : i32
      %scan3A_265 = arith.constant 7 : i32
      %scan3A_266 = arith.addi %scan3A_264, %scan3A_265 : i32
      %scan3A_267 = arith.constant 1 : i32
      %scan3A_268 = scf.for %scan3A_289 = %scan3A_264 to %scan3A_266 step %scan3A_267 iter_args(%scan3A_290 = %scan3A_263) -> (i32)  : i32 {
        %mul3A_291 = arith.constant 16 : i32
        %mul3A_292 = arith.muli %scan3A_289, %mul3A_291 : i32
        %swap3A_293 = arith.index_cast %mul3A_292 : i32 to index
        %swap3A_294 = tpu.vector_load %arg18[%swap3A_293] {strides = array<i32>} : memref<112xf32, #tpu.memory_space<vmem>>, vector<16xf32>,
        tpu.vector_store %arg18[%swap3A_293], %broadcast_in_dim3A_3 {strides = array<i32>} : memref<112xf32, #tpu.memory_space<vmem>>, vector<16xf32>,
        %swap3A_295 = arith.index_cast %mul3A_292 : i32 to index
        %swap3A_296 = tpu.vector_load %arg19[%swap3A_295] {strides = array<i32>} : memref<112xf32, #tpu.memory_space<vmem>>, vector<16xf32>,
        tpu.vector_store %arg19[%swap3A_295], %broadcast_in_dim3A_3 {strides = array<i32>} : memref<112xf32, #tpu.memory_space<vmem>>, vector<16xf32>,
        %swap3A_297 = arith.index_cast %mul3A_292 : i32 to index
        %swap3A_298 = tpu.vector_load %arg20[%swap3A_297] {strides = array<i32>} : memref<112xf32, #tpu.memory_space<vmem>>, vector<16xf32>,
        tpu.vector_store %arg20[%swap3A_297], %broadcast_in_dim3A_3 {strides = array<i32>} : memref<112xf32, #tpu.memory_space<vmem>>, vector<16xf32>,
        %swap3A_299 = arith.index_cast %mul3A_292 : i32 to index
        %swap3A_300 = tpu.vector_load %arg21[%swap3A_299] {strides = array<i32>} : memref<112xf32, #tpu.memory_space<vmem>>, vector<16xf32>,
        tpu.vector_store %arg21[%swap3A_299], %broadcast_in_dim3A_3 {strides = array<i32>} : memref<112xf32, #tpu.memory_space<vmem>>, vector<16xf32>,
        %swap3A_301 = arith.index_cast %mul3A_292 : i32 to index
        %swap3A_302 = tpu.vector_load %arg22[%swap3A_301] {strides = array<i32>} : memref<112xf32, #tpu.memory_space<vmem>>, vector<16xf32>,
        tpu.vector_store %arg22[%swap3A_301], %broadcast_in_dim3A_3 {strides = array<i32>} : memref<112xf32, #tpu.memory_space<vmem>>, vector<16xf32>,
        %swap3A_303 = arith.index_cast %mul3A_292 : i32 to index
        %swap3A_304 = tpu.vector_load %arg23[%swap3A_303] {strides = array<i32>} : memref<112xf32, #tpu.memory_space<vmem>>, vector<16xf32>,
        tpu.vector_store %arg23[%swap3A_303], %broadcast_in_dim3A_3 {strides = array<i32>} : memref<112xf32, #tpu.memory_space<vmem>>, vector<16xf32>,
        %scan3A_305 = arith.constant 0 : i32
        scf.yield %scan3A_305 : i32
      }
      %scan3A_269 = arith.constant 7 : i32
      %get3A = arith.constant 0 : index
      %get3A_270 = tpu.vector_load %arg17[%get3A] {strides = array<i32>} : memref<1024xf32, #tpu.memory_space<vmem>>, vector<16xf32>,
      %slice3A = vector.extract_strided_slice %get3A_270 {offsets = [0], sizes = [1], strides = [1]} : vector<16xf32> to vector<1xf32>
      %squeeze3A = vector.extract %slice3A[0] : f32 from vector<1xf32>
      %gt3A = arith.constant 0.000000e+00 : f32
      %gt3A_271 = arith.cmpf ogt, %squeeze3A, %gt3A : f32
      %while3A_272 = arith.constant 0 : i32
      %while3A_273 = arith.constant 0 : i32
      %while3A_274:3 = scf.while (%while3A_289 = %while3A_272, %while3A_290 = %while3A_273, %while3A_291 = %gt3A_271) : (i32, i32, i1) -> (i32, i32, i1) {
        scf.condition(%while3A_291) %while3A_289, %while3A_290, %while3A_291 : i32, i32, i1
      } do {
      ^bb0(%while3A_289: i32, %while3A_290: i32, %while3A_291: i1):
        %get3A_292 = arith.index_cast %while3A_289 : i32 to index
        %get3A_293 = tpu.vector_load %arg12[%get3A_292] {strides = array<i32>} : memref<1024xf32, #tpu.memory_space<vmem>>, vector<16xf32>,
        %slice3A_294 = vector.extract_strided_slice %get3A_293 {offsets = [0], sizes = [1], strides = [1]} : vector<16xf32> to vector<1xf32>
        %squeeze3A_295 = vector.extract %slice3A_294[0] : f32 from vector<1xf32>
        %broadcast_in_dim3A_296 = vector.broadcast %squeeze3A_295 : f32 to vector<16xf32>
        %get3A_297 = arith.index_cast %while3A_289 : i32 to index
        %get3A_298 = tpu.vector_load %arg13[%get3A_297] {strides = array<i32>} : memref<1024xf32, #tpu.memory_space<vmem>>, vector<16xf32>,
        %slice3A_299 = vector.extract_strided_slice %get3A_298 {offsets = [0], sizes = [1], strides = [1]} : vector<16xf32> to vector<1xf32>
        %squeeze3A_300 = vector.extract %slice3A_299[0] : f32 from vector<1xf32>
        %broadcast_in_dim3A_301 = vector.broadcast %squeeze3A_300 : f32 to vector<16xf32>
        %get3A_302 = arith.index_cast %while3A_289 : i32 to index
        %get3A_303 = tpu.vector_load %arg14[%get3A_302] {strides = array<i32>} : memref<1024xf32, #tpu.memory_space<vmem>>, vector<16xf32>,
        %slice3A_304 = vector.extract_strided_slice %get3A_303 {offsets = [0], sizes = [1], strides = [1]} : vector<16xf32> to vector<1xf32>
        %squeeze3A_305 = vector.extract %slice3A_304[0] : f32 from vector<1xf32>
        %broadcast_in_dim3A_306 = vector.broadcast %squeeze3A_305 : f32 to vector<16xf32>
        %get3A_307 = arith.index_cast %while3A_289 : i32 to index
        %get3A_308 = tpu.vector_load %arg15[%get3A_307] {strides = array<i32>} : memref<1024xf32, #tpu.memory_space<vmem>>, vector<16xf32>,
        %slice3A_309 = vector.extract_strided_slice %get3A_308 {offsets = [0], sizes = [1], strides = [1]} : vector<16xf32> to vector<1xf32>
        %squeeze3A_310 = vector.extract %slice3A_309[0] : f32 from vector<1xf32>
        %broadcast_in_dim3A_311 = vector.broadcast %squeeze3A_310 : f32 to vector<16xf32>
        %get3A_312 = arith.index_cast %while3A_289 : i32 to index
        %get3A_313 = tpu.vector_load %arg16[%get3A_312] {strides = array<i32>} : memref<1024xf32, #tpu.memory_space<vmem>>, vector<16xf32>,
        %slice3A_314 = vector.extract_strided_slice %get3A_313 {offsets = [0], sizes = [1], strides = [1]} : vector<16xf32> to vector<1xf32>
        %squeeze3A_315 = vector.extract %slice3A_314[0] : f32 from vector<1xf32>
        %broadcast_in_dim3A_316 = vector.broadcast %squeeze3A_315 : f32 to vector<16xf32>
        %get3A_317 = arith.index_cast %while3A_289 : i32 to index
        %get3A_318 = tpu.vector_load %arg17[%get3A_317] {strides = array<i32>} : memref<1024xf32, #tpu.memory_space<vmem>>, vector<16xf32>,
        %slice3A_319 = vector.extract_strided_slice %get3A_318 {offsets = [0], sizes = [1], strides = [1]} : vector<16xf32> to vector<1xf32>
        %squeeze3A_320 = vector.extract %slice3A_319[0] : f32 from vector<1xf32>
        %broadcast_in_dim3A_321 = vector.broadcast %squeeze3A_320 : f32 to vector<16xf32>
        %add3A_322 = arith.constant 15 : i32
        %add3A_323 = arith.addi %while3A_290, %add3A_322 : i32
        %shift_right_arithmetic3A_324 = arith.constant 4 : i32
        %shift_right_arithmetic3A_325 = arith.shrsi %add3A_323, %shift_right_arithmetic3A_324 : i32
        %while3A_326 = arith.constant 0 : i32
        %while3A_327 = arith.constant false
        %while3A_328:2 = scf.while (%while3A_349 = %while3A_326, %while3A_350 = %while3A_327) : (i32, i1) -> (i32, i1) {
          %lt3A_351 = arith.cmpi slt, %while3A_349, %shift_right_arithmetic3A_325 : i32
          %not3A_352 = arith.constant true
          %not3A_353 = arith.xori %while3A_350, %not3A_352 : i1
          %and3A_354 = arith.andi %lt3A_351, %not3A_353 : i1
          scf.condition(%and3A_354) %while3A_349, %while3A_350 : i32, i1
        } do {
        ^bb0(%while3A_349: i32, %while3A_350: i1):
          %mul3A_351 = arith.constant 16 : i32
          %mul3A_352 = arith.muli %while3A_349, %mul3A_351 : i32
          %get3A_353 = arith.index_cast %mul3A_352 : i32 to index
          %get3A_354 = tpu.vector_load %arg18[%get3A_353] {strides = array<i32>} : memref<112xf32, #tpu.memory_space<vmem>>, vector<16xf32>,
          %max3A = arith.maximumf %broadcast_in_dim3A_296, %get3A_354 : vector<16xf32>
          %get3A_355 = arith.index_cast %mul3A_352 : i32 to index
          %get3A_356 = tpu.vector_load %arg19[%get3A_355] {strides = array<i32>} : memref<112xf32, #tpu.memory_space<vmem>>, vector<16xf32>,
          %max3A_357 = arith.maximumf %broadcast_in_dim3A_301, %get3A_356 : vector<16xf32>
          %get3A_358 = arith.index_cast %mul3A_352 : i32 to index
          %get3A_359 = tpu.vector_load %arg20[%get3A_358] {strides = array<i32>} : memref<112xf32, #tpu.memory_space<vmem>>, vector<16xf32>,
          %min3A_360 = arith.minimumf %broadcast_in_dim3A_306, %get3A_359 : vector<16xf32>
          %get3A_361 = arith.index_cast %mul3A_352 : i32 to index
          %get3A_362 = tpu.vector_load %arg21[%get3A_361] {strides = array<i32>} : memref<112xf32, #tpu.memory_space<vmem>>, vector<16xf32>,
          %min3A_363 = arith.minimumf %broadcast_in_dim3A_311, %get3A_362 : vector<16xf32>
          %sub3A = arith.subf %min3A_360, %max3A : vector<16xf32>
          %max3A_364 = arith.constant 0.000000e+00 : f32
          %max3A_365 = vector.broadcast %max3A_364 : f32 to vector<16xf32>
          %max3A_366 = arith.maximumf %sub3A, %max3A_365 : vector<16xf32>
          %sub3A_367 = arith.subf %min3A_363, %max3A_357 : vector<16xf32>
          %max3A_368 = arith.constant 0.000000e+00 : f32
          %max3A_369 = vector.broadcast %max3A_368 : f32 to vector<16xf32>
          %max3A_370 = arith.maximumf %sub3A_367, %max3A_369 : vector<16xf32>
          %mul3A_371 = arith.mulf %max3A_366, %max3A_370 : vector<16xf32>
          %get3A_372 = arith.index_cast %mul3A_352 : i32 to index
          %get3A_373 = tpu.vector_load %arg22[%get3A_372] {strides = array<i32>} : memref<112xf32, #tpu.memory_space<vmem>>, vector<16xf32>,
          %add3A_374 = arith.addf %broadcast_in_dim3A_316, %get3A_373 : vector<16xf32>
          %sub3A_375 = arith.subf %add3A_374, %mul3A_371 : vector<16xf32>
          %add3A_376 = arith.constant 9.99999971E-10 : f32
          %add3A_377 = vector.broadcast %add3A_376 : f32 to vector<16xf32>
          %add3A_378 = arith.addf %sub3A_375, %add3A_377 : vector<16xf32>
          %div3A = arith.divf %mul3A_371, %add3A_378 : vector<16xf32>
          %gt3A_379 = arith.constant 3.000000e-01 : f32
          %gt3A_380 = vector.broadcast %gt3A_379 : f32 to vector<16xf32>
          %gt3A_381 = arith.cmpf ogt, %div3A, %gt3A_380 : vector<16xf32>
          %convert_element_type3A_382 = arith.extui %gt3A_381 : vector<16xi1> to vector<16xi32>
          %reduce_sum3A = arith.constant true
          %reduce_sum3A_383 = vector.broadcast %reduce_sum3A : i1 to vector<16xi1>
          %reduce_sum3A_384 = tpu.scan <sum>, %convert_element_type3A_382 masked %reduce_sum3A_383 : vector<16xi32>, vector<16xi1> -> vector<16xi32>
          %reduce_sum3A_385 = vector.extract %reduce_sum3A_384[15] : i32 from vector<16xi32>
          %gt3A_386 = arith.constant 0 : i32
          %gt3A_387 = arith.cmpi sgt, %reduce_sum3A_385, %gt3A_386 : i32
          %add3A_388 = arith.constant 1 : i32
          %add3A_389 = arith.addi %while3A_349, %add3A_388 : i32
          scf.yield %add3A_389, %gt3A_387 : i32, i1
        }
        %not3A = arith.constant true
        %not3A_329 = arith.xori %while3A_328#1, %not3A : i1
        %convert_element_type3A_330 = arith.extui %not3A_329 : i1 to i32
        %cond3A_331 = arith.constant 0 : i32
        %cond3A_332 = arith.cmpi ne, %convert_element_type3A_330, %cond3A_331 : i32
        %cond3A_333 = scf.if %cond3A_332 -> (i32) {
          %broadcast_in_dim3A_349 = vector.broadcast %while3A_290 : i32 to vector<16xi32>
          %eq3A = arith.constant 0 : i32
          %eq3A_350 = vector.broadcast %eq3A : i32 to vector<16xi32>
          %eq3A_351 = arith.cmpi eq, %iota3A, %eq3A_350 : vector<16xi32>
          tpu.vector_store_idx %arg18[%broadcast_in_dim3A_349], %broadcast_in_dim3A_296 masked %eq3A_351 : memref<112xf32, #tpu.memory_space<vmem>>[vector<16xi32>], vector<16xf32>, vector<16xi1>
          tpu.vector_store_idx %arg19[%broadcast_in_dim3A_349], %broadcast_in_dim3A_301 masked %eq3A_351 : memref<112xf32, #tpu.memory_space<vmem>>[vector<16xi32>], vector<16xf32>, vector<16xi1>
          tpu.vector_store_idx %arg20[%broadcast_in_dim3A_349], %broadcast_in_dim3A_306 masked %eq3A_351 : memref<112xf32, #tpu.memory_space<vmem>>[vector<16xi32>], vector<16xf32>, vector<16xi1>
          tpu.vector_store_idx %arg21[%broadcast_in_dim3A_349], %broadcast_in_dim3A_311 masked %eq3A_351 : memref<112xf32, #tpu.memory_space<vmem>>[vector<16xi32>], vector<16xf32>, vector<16xi1>
          tpu.vector_store_idx %arg22[%broadcast_in_dim3A_349], %broadcast_in_dim3A_316 masked %eq3A_351 : memref<112xf32, #tpu.memory_space<vmem>>[vector<16xi32>], vector<16xf32>, vector<16xi1>
          tpu.vector_store_idx %arg23[%broadcast_in_dim3A_349], %broadcast_in_dim3A_321 masked %eq3A_351 : memref<112xf32, #tpu.memory_space<vmem>>[vector<16xi32>], vector<16xf32>, vector<16xi1>
          %add3A_352 = arith.constant 1 : i32
          %add3A_353 = arith.addi %while3A_290, %add3A_352 : i32
          scf.yield %add3A_353 : i32
        } else {
          scf.yield %while3A_290 : i32
        }
        %add3A_334 = arith.constant 1 : i32
        %add3A_335 = arith.addi %while3A_289, %add3A_334 : i32
        %min3A = arith.constant 1000 : i32
        %min3A_336 = arith.minsi %add3A_335, %min3A : i32
        %get3A_337 = arith.index_cast %min3A_336 : i32 to index
        %get3A_338 = tpu.vector_load %arg17[%get3A_337] {strides = array<i32>} : memref<1024xf32, #tpu.memory_space<vmem>>, vector<16xf32>,
        %slice3A_339 = vector.extract_strided_slice %get3A_338 {offsets = [0], sizes = [1], strides = [1]} : vector<16xf32> to vector<1xf32>
        %squeeze3A_340 = vector.extract %slice3A_339[0] : f32 from vector<1xf32>
        %lt3A_341 = arith.constant 1000 : i32
        %lt3A_342 = arith.cmpi slt, %add3A_335, %lt3A_341 : i32
        %lt3A_343 = arith.constant 100 : i32
        %lt3A_344 = arith.cmpi slt, %cond3A_333, %lt3A_343 : i32
        %and3A_345 = arith.andi %lt3A_342, %lt3A_344 : i1
        %gt3A_346 = arith.constant 0.000000e+00 : f32
        %gt3A_347 = arith.cmpf ogt, %squeeze3A_340, %gt3A_346 : f32
        %and3A_348 = arith.andi %and3A_345, %gt3A_347 : i1
        scf.yield %add3A_335, %cond3A_333, %and3A_348 : i32, i32, i1
      }
      %scan3A_275 = arith.constant 0 : i32
      %scan3A_276 = arith.constant 0 : i32
      %scan3A_277 = arith.constant 32 : i32
      %scan3A_278 = arith.addi %scan3A_276, %scan3A_277 : i32
      %scan3A_279 = arith.constant 1 : i32
      %scan3A_280 = scf.for %scan3A_289 = %scan3A_276 to %scan3A_278 step %scan3A_279 iter_args(%scan3A_290 = %scan3A_275) -> (i32)  : i32 {
        %mul3A_291 = arith.constant 16 : i32
        %mul3A_292 = arith.muli %scan3A_289, %mul3A_291 : i32
        %swap3A_293 = arith.index_cast %mul3A_292 : i32 to index
        %swap3A_294 = tpu.vector_load %arg24[%swap3A_293] {strides = array<i32>} : memref<512xf32, #tpu.memory_space<vmem>>, vector<16xf32>,
        tpu.vector_store %arg24[%swap3A_293], %broadcast_in_dim3A_3 {strides = array<i32>} : memref<512xf32, #tpu.memory_space<vmem>>, vector<16xf32>,
        %scan3A_295 = arith.constant 0 : i32
        scf.yield %scan3A_295 : i32
      }
      %scan3A_281 = arith.constant 32 : i32
      %scan3A_282 = arith.constant 0 : i32
      %scan3A_283 = arith.constant 0 : i32
      %scan3A_284 = arith.constant 7 : i32
      %scan3A_285 = arith.addi %scan3A_283, %scan3A_284 : i32
      %scan3A_286 = arith.constant 1 : i32
      %scan3A_287 = scf.for %scan3A_289 = %scan3A_283 to %scan3A_285 step %scan3A_286 iter_args(%scan3A_290 = %scan3A_282) -> (i32)  : i32 {
        %mul3A_291 = arith.constant 16 : i32
        %mul3A_292 = arith.muli %scan3A_289, %mul3A_291 : i32
        %add3A_293 = vector.broadcast %mul3A_292 : i32 to vector<16xi32>
        %add3A_294 = arith.addi %add3A_293, %iota3A : vector<16xi32>
        %lt3A_295 = vector.broadcast %while3A_274#1 : i32 to vector<16xi32>
        %lt3A_296 = arith.cmpi slt, %add3A_294, %lt3A_295 : vector<16xi32>
        %mul3A_297 = arith.constant 16 : i32
        %mul3A_298 = arith.muli %scan3A_289, %mul3A_297 : i32
        %mul3A_299 = arith.constant 5 : i32
        %mul3A_300 = vector.broadcast %mul3A_299 : i32 to vector<16xi32>
        %mul3A_301 = arith.muli %add3A_294, %mul3A_300 : vector<16xi32>
        %jit3A_302 = arith.constant 0 : i32
        %broadcast_in_dim3A_303 = vector.broadcast %jit3A_302 : i32 to vector<16xi32>
        %select_n3A_304 = arith.select %lt3A_296, %mul3A_301, %broadcast_in_dim3A_303 : vector<16xi1>, vector<16xi32>
        %get3A_305 = arith.index_cast %mul3A_298 : i32 to index
        %get3A_306 = tpu.vector_load %arg18[%get3A_305] {strides = array<i32>} : memref<112xf32, #tpu.memory_space<vmem>>, vector<16xf32>,
        tpu.vector_store_idx %arg24[%select_n3A_304], %get3A_306 masked %lt3A_296 : memref<512xf32, #tpu.memory_space<vmem>>[vector<16xi32>], vector<16xf32>, vector<16xi1>
        %add3A_307 = arith.constant 1 : i32
        %add3A_308 = vector.broadcast %add3A_307 : i32 to vector<16xi32>
        %add3A_309 = arith.addi %select_n3A_304, %add3A_308 : vector<16xi32>
        %get3A_310 = arith.index_cast %mul3A_298 : i32 to index
        %get3A_311 = tpu.vector_load %arg19[%get3A_310] {strides = array<i32>} : memref<112xf32, #tpu.memory_space<vmem>>, vector<16xf32>,
        tpu.vector_store_idx %arg24[%add3A_309], %get3A_311 masked %lt3A_296 : memref<512xf32, #tpu.memory_space<vmem>>[vector<16xi32>], vector<16xf32>, vector<16xi1>
        %add3A_312 = arith.constant 2 : i32
        %add3A_313 = vector.broadcast %add3A_312 : i32 to vector<16xi32>
        %add3A_314 = arith.addi %select_n3A_304, %add3A_313 : vector<16xi32>
        %get3A_315 = arith.index_cast %mul3A_298 : i32 to index
        %get3A_316 = tpu.vector_load %arg20[%get3A_315] {strides = array<i32>} : memref<112xf32, #tpu.memory_space<vmem>>, vector<16xf32>,
        tpu.vector_store_idx %arg24[%add3A_314], %get3A_316 masked %lt3A_296 : memref<512xf32, #tpu.memory_space<vmem>>[vector<16xi32>], vector<16xf32>, vector<16xi1>
        %add3A_317 = arith.constant 3 : i32
        %add3A_318 = vector.broadcast %add3A_317 : i32 to vector<16xi32>
        %add3A_319 = arith.addi %select_n3A_304, %add3A_318 : vector<16xi32>
        %get3A_320 = arith.index_cast %mul3A_298 : i32 to index
        %get3A_321 = tpu.vector_load %arg21[%get3A_320] {strides = array<i32>} : memref<112xf32, #tpu.memory_space<vmem>>, vector<16xf32>,
        tpu.vector_store_idx %arg24[%add3A_319], %get3A_321 masked %lt3A_296 : memref<512xf32, #tpu.memory_space<vmem>>[vector<16xi32>], vector<16xf32>, vector<16xi1>
        %add3A_322 = arith.constant 4 : i32
        %add3A_323 = vector.broadcast %add3A_322 : i32 to vector<16xi32>
        %add3A_324 = arith.addi %select_n3A_304, %add3A_323 : vector<16xi32>
        %get3A_325 = arith.index_cast %mul3A_298 : i32 to index
        %get3A_326 = tpu.vector_load %arg23[%get3A_325] {strides = array<i32>} : memref<112xf32, #tpu.memory_space<vmem>>, vector<16xf32>,
        tpu.vector_store_idx %arg24[%add3A_324], %get3A_326 masked %lt3A_296 : memref<512xf32, #tpu.memory_space<vmem>>[vector<16xi32>], vector<16xf32>, vector<16xi1>
        %scan3A_327 = arith.constant 0 : i32
        scf.yield %scan3A_327 : i32
      }
      %scan3A_288 = arith.constant 7 : i32
      "tpu.region"() ({
        %run_scoped3A = tpu.sem_alloc : memref<!tpu.dma_semaphore, #tpu.memory_space<semaphore_mem>>
        %dma_start3A = arith.constant 0 : i32
        %dma_start3A_289 = tpu.memref_slice %arg4[%add3A, %dma_start3A] : memref<20x512xf32, #tpu.memory_space<hbm>> -> memref<1x512xf32, #tpu.memory_space<hbm>>
        %dma_start3A_290 = tpu.memref_squeeze %dma_start3A_289 : memref<1x512xf32, #tpu.memory_space<hbm>> -> memref<512xf32, #tpu.memory_space<hbm>>
        %dma_start3A_291 = arith.constant 0 : i32
        %dma_start3A_292 = tpu.memref_slice %arg4[%add3A, %dma_start3A_291] : memref<20x512xf32, #tpu.memory_space<hbm>> -> memref<1x512xf32, #tpu.memory_space<hbm>>
        %dma_start3A_293 = tpu.memref_squeeze %dma_start3A_292 : memref<1x512xf32, #tpu.memory_space<hbm>> -> memref<512xf32, #tpu.memory_space<hbm>>
        tpu.enqueue_dma source(%arg24 : memref<512xf32, #tpu.memory_space<vmem>>) target(%dma_start3A_293 : memref<512xf32, #tpu.memory_space<hbm>>) target_semaphore(%run_scoped3A : memref<!tpu.dma_semaphore, #tpu.memory_space<semaphore_mem>>)
        %dma_wait3A = arith.constant 0 : i32
        %dma_wait3A_294 = tpu.memref_slice %arg4[%add3A, %dma_wait3A] : memref<20x512xf32, #tpu.memory_space<hbm>> -> memref<1x512xf32, #tpu.memory_space<hbm>>
        %dma_wait3A_295 = tpu.memref_squeeze %dma_wait3A_294 : memref<1x512xf32, #tpu.memory_space<hbm>> -> memref<512xf32, #tpu.memory_space<hbm>>
        %dma_wait3A_296 = arith.constant 0 : i32
        %dma_wait3A_297 = tpu.memref_slice %arg4[%add3A, %dma_wait3A_296] : memref<20x512xf32, #tpu.memory_space<hbm>> -> memref<1x512xf32, #tpu.memory_space<hbm>>
        %dma_wait3A_298 = tpu.memref_squeeze %dma_wait3A_297 : memref<1x512xf32, #tpu.memory_space<hbm>> -> memref<512xf32, #tpu.memory_space<hbm>>
        tpu.wait_dma2 semaphore(%run_scoped3A : memref<!tpu.dma_semaphore, #tpu.memory_space<semaphore_mem>>) src(%arg24 : memref<512xf32, #tpu.memory_space<vmem>>) dst(%dma_wait3A_298 : memref<512xf32, #tpu.memory_space<hbm>>)
        tpu.yield
      }) : () -> ()
    } else {
    }
    return
  }
}

</mosaic_0001>

<sc_bundles>
// kernel: kernel.3.cloned.1.call-start
scs
__scs_entry_jumppad:
0x0: {  	(pc) =	sbr.rel $0x88, $3  }
0x1: {  	(tag) =	ssettag $0x0;
	lr =	simm.s32 $0x1  }
0x2: {  	[smem:$0x3F9E] =	sst lr;
	_ =	strace $0xD0000000  }
0x3: {  	_ = 	snop  }
0x4: {  	_ = 	snop  }
0x5: {  	_ = 	snop  }
0x6: {  	_ = 	snop  }
0x7: {  	_ = 	snop  }
__scs_overlays_trampoline_lowered:
0x8: {  	[smem:$0x3FAD] =	sst s0  }
0x9: {  	[smem:$0x3FAE] =	sst s1  }
0xa: {  	[smem:$0x3FAF] =	sst s2  }
0xb: {  	[smem:$0x3FB0] =	sst s3  }
0xc: {  	[smem:$0x3FB1] =	sst s4  }
0xd: {  	[smem:$0x3FB2] =	sst s5  }
0xe: {  	[smem:$0x3FB3] =	sst s6  }
0xf: {  	[smem:$0x3FB4] =	sst s7  }
0x10: {  	[smem:$0x3FB5] =	sst s8  }
0x11: {  	[smem:$0x3FB6] =	sst s9;
	s0 =	simm.s32 @!p0 $0x0  }
0x12: {  	s1 =	sld [smem:$0x3F9C];
	s0 =	simm.s32 @p0 $0x1  }
0x13: {  	[smem:$0x3FB7] =	sst s0;
	s0 =	simm.s32 @!p1 $0x0  }
0x14: {  	s2 =	sld [smem:$0x3F9B];
	s0 =	simm.s32 @p1 $0x1  }
0x15: {  	[smem:$0x3FB8] =	sst s0;
	s0 =	simm.s32 @!p2 $0x0  }
0x16: {  	s3 =	sld [smem:$0x3FDB];
	s0 =	simm.s32 @p2 $0x1  }
0x17: {  	s4 =	simm.s32 $0x1BF5;
	[smem:$0x3FBA] =	sst s0  }
0x18: {  	s0 =	sld [smem:$0x3F9D];
	_ =	swait.ge [sflag:s4], $0x0  }
0x19: {  	s7 =	sld [smem:$0x3F9E]  }
0x1a: {  	s8 =	sadd.s32 $0xFFFFE003, lr  }
0x1b: {  	s9 =	sadd.s32 $0xFFFFFEF7, lr;
	s5 =	simm.s32 $0xFFFFFFFF;
	p2 =	slt.u32 s8, $0xFFFFF086  }
0x1c: {  	p1 =	slt.u32 s9, $0xF7A;
	s5 =	simm.s32 @!p2 $0x0  }
0x1d: {  	s5 =	simm.s32 @p1 $0x1;
	p0 =	seq.s32 s7, s2  }
0x1e: {  	s7 =	smul.u32 @!p0 $0xF7A, s2;
	p2 =	seq.s32 @!p0 s5, $0x0  }
0x1f: {  	s9 =	smul.u32 $0xF7A, s1;
	s8 =	simm.s32 @!p0 $0x1BF5;
	p2 =	por !p2, p0  }
0x20: {  	[sflag:s8] =	ssyncset.s32 @!p0 $0xFFFFF086;
	s6 =	sadd.s32 @!p0 s3, s7;
	s7 =	simm.s32 @!p0 $0x108  }
0x21: {  	s3 =	sadd.s32 s3, s9;
	s6 =	sadd.s32 @!p0 $0x88, s6;
	s7 =	simm.s32 @p2 $0x1082  }
0x22: {  	[simem:s7], [sflag:s8] =	dma.local @!p0 [hbm:s6], $0xF7A  }
0x23: {  	s9 =	sor.u32 $0xD0000000, s2;
	s6 =	simm.s32 $0x108;
	_ =	swait.ge @!p0 [sflag:s8], $0x0  }
0x24: {  	s3 =	sadd.s32 $0x88, s3;
	s6 =	simm.s32 @!p1 $0x1082;
	[sflag:s4] =	ssyncset.s32 $0xFFFFF086  }
0x25: {  	[simem:s6], [sflag:s4] =	dma.local [hbm:s3], $0xF7A  }
0x26: {  	[smem:$0x3F9E] =	sst s1;
	(tag) =	ssettag s2;
	_ =	strace s9  }
0x27: {  	s1 =	sld [smem:$0x3FAE]  }
0x28: {  	s2 =	sld [smem:$0x3FAF]  }
0x29: {  	s4 =	sld [smem:$0x3FB1]  }
0x2a: {  	p0 =	seq.s32 s5, $0x0;
	s5 =	sld [smem:$0x3FB2]  }
0x2b: {  	s6 =	sld [smem:$0x3FB3]  }
0x2c: {  	s7 =	sld [smem:$0x3FB4]  }
0x2d: {  	s3 =	simm.s32 $0x108;
	s8 =	sld [smem:$0x3FB5]  }
0x2e: {  	s3 =	simm.s32 @!p0 $0x1082;
	s9 =	sld [smem:$0x3FB6]  }
0x2f: {  	lr =	sadd.s32 s0, s3;
	s0 =	sld [smem:$0x3FAD]  }
0x30: {  	s3 =	sld [smem:$0x3FB0]  }
0x31: {  	[smem:$0x3FB9] =	sst s10  }
0x32: {  	s10 =	sld [smem:$0x3FB7];
	_ =	sdelay $0x3  }
0x33: {  	p0 =	seq.s32 s10, $0x1;
	s10 =	sld [smem:$0x3FB9];
	_ =	sdelay $0x3  }
0x34: {  	[smem:$0x3FB9] =	sst s10  }
0x35: {  	s10 =	sld [smem:$0x3FB8];
	_ =	sdelay $0x3  }
0x36: {  	p1 =	seq.s32 s10, $0x1;
	s10 =	sld [smem:$0x3FB9];
	_ =	sdelay $0x3  }
0x37: {  	[smem:$0x3FB9] =	sst s10  }
0x38: {  	s10 =	sld [smem:$0x3FBA]  }
0x39: {  	_ = 	snop;
	(pc) =	sbr.ind lr, $3  }
0x3a: {  	_ = 	snop  }
0x3b: {  	_ = 	snop  }
0x3c: {  	p2 =	seq.s32 s10, $0x1;
	s10 =	sld [smem:$0x3FB9]  }
0x3d: {  	_ =	shalt  }
0x3e: {  	_ =	shalt  }
0x3f: {  	_ =	shalt  }
0x40: {  	_ =	shalt  }
0x41: {  	_ =	shalt  }
0x42: {  	_ =	shalt  }
0x43: {  	_ =	shalt  }
0x44: {  	_ =	shalt  }
0x45: {  	_ =	shalt  }
0x46: {  	_ =	shalt  }
0x47: {  	_ =	shalt  }
0x48: {  	_ =	shalt  }
0x49: {  	_ =	shalt  }
0x4a: {  	_ =	shalt  }
0x4b: {  	_ =	shalt  }
0x4c: {  	_ =	shalt  }
0x4d: {  	_ =	shalt  }
0x4e: {  	_ =	shalt  }
0x4f: {  	_ =	shalt  }
0x50: {  	_ =	shalt  }
0x51: {  	_ =	shalt  }
0x52: {  	_ =	shalt  }
0x53: {  	_ =	shalt  }
0x54: {  	_ =	shalt  }
0x55: {  	_ =	shalt  }
0x56: {  	_ =	shalt  }
0x57: {  	_ =	shalt  }
0x58: {  	_ =	shalt  }
0x59: {  	_ =	shalt  }
0x5a: {  	_ =	shalt  }
0x5b: {  	_ =	shalt  }
0x5c: {  	_ =	shalt  }
0x5d: {  	_ =	shalt  }
0x5e: {  	_ =	shalt  }
0x5f: {  	_ =	shalt  }
0x60: {  	_ =	shalt  }
0x61: {  	_ =	shalt  }
0x62: {  	_ =	shalt  }
0x63: {  	_ =	shalt  }
0x64: {  	_ =	shalt  }
0x65: {  	_ =	shalt  }
0x66: {  	_ =	shalt  }
0x67: {  	_ =	shalt  }
0x68: {  	_ =	shalt  }
0x69: {  	_ =	shalt  }
0x6a: {  	_ =	shalt  }
0x6b: {  	_ =	shalt  }
0x6c: {  	_ =	shalt  }
0x6d: {  	_ =	shalt  }
0x6e: {  	_ =	shalt  }
0x6f: {  	_ =	shalt  }
0x70: {  	_ =	shalt  }
0x71: {  	_ =	shalt  }
0x72: {  	_ =	shalt  }
0x73: {  	_ =	shalt  }
0x74: {  	_ =	shalt  }
0x75: {  	_ =	shalt  }
0x76: {  	_ =	shalt  }
0x77: {  	_ =	shalt  }
0x78: {  	_ =	shalt  }
0x79: {  	_ =	shalt  }
0x7a: {  	_ =	shalt  }
0x7b: {  	_ =	shalt  }
0x7c: {  	_ =	shalt  }
0x7d: {  	_ =	shalt  }
0x7e: {  	_ =	shalt  }
0x7f: {  	_ =	shalt  }
0x80: {  	_ =	shalt  }
0x81: {  	_ =	shalt  }
0x82: {  	_ =	shalt  }
0x83: {  	_ =	shalt  }
0x84: {  	_ =	shalt  }
0x85: {  	_ =	shalt  }
0x86: {  	_ =	shalt  }
0x87: {  	_ =	shalt  }
.Lfunc_end0:
.L_simem_size_0:
called_computation_lowered:
.L_overlay_start_0:
0x88: {  	s2 =	sld [smem:$0x3FD9]  }
0x89: {  	s3 =	sld [smem:$0x3FFE];
	_ =	sdelay $0x1  }
0x8a: {  	s1 =	srdreg.scid  }
0x8b: {  	s0 =	sand.u32 $0x1, s1  }
0x8c: {  	s17 =	sshll.u32 s0, $0xA;
	s2 =	sadd.s32 s3, s2  }
0x8d: {  	s2 =	sadd.s32 s2, s17  }
0x8e: {  	[smem:$0x3FC5] =	sst s2  }
0x8f: {  	_ = 	snop  }
0x90: {  	s2 =	sld [smem:$0x3FD0];
	(tm) =	ssettm $0x1  }
0x91: {  	s18 =	sld [smem:$0x3FFB];
	_ =	sdelay $0x3  }
0x92: {  	_ =	strace s18  }
0x93: {  	s3 =	sld [smem:$0x3FFC];
	_ =	sdelay $0x3  }
0x94: {  	_ =	strace s3  }
0x95: {  	s3 =	sld [smem:$0x3FFD];
	_ =	sdelay $0x3  }
0x96: {  	_ =	strace s3  }
0x97: {  	_ =	strace $0x8FFFFFFF  }
0x98: {  	s19 =	sld [smem:$0x3FDB];
	_ =	sdelay $0x1  }
0x99: {  	s4 =	simm.s32 $_scs_section_size  }
0x9a: {  	s5 =	simm.s32 $_size__tile_overlayer_lowered;
	s6 =	simm.s32 $_tile_overlayer_lowered  }
0x9b: {  	s22 =	simm.s32 $0x1BFF;
	s21 =	sshll.u32 s6, $0x1;
	s3 =	sadd.s32 s4, s19  }
0x9c: {  	s7 =	simm.s32 $0x0;
	s20 =	sshll.u32 s5, $0x1;
	s5 =	sadd.s32 s21, s3  }
0x9d: {  	[timem:s7], [sflag:s22] =	dma.local [hbm:s5], s20  }
0x9e: {  	_ =	swait.ge [sflag:s22], s20  }
0x9f: {  	s4 =	ssub.s32 $0x0, s20;
	[sflag:s22] =	ssyncset.done $0x0  }
0xa0: {  	[sflag:s22] =	ssyncadd.s32 s4;
	_ =	sdelay $0x1  }
0xa1: {  	s23 =	simm.s32 $0x1B8B  }
0xa2: {  	_ =	swait.ge [sflag:s23], $0x1  }
0xa3: {  	[sflag:s23] =	ssyncset.done $0x0  }
0xa4: {  	s25 =	simm.s32 $0x1B8E;
	s24 =	sld [smem:$0x3FFE];
	[sflag:s23] =	ssyncadd.s32 $0xFFFFFFFF  }
0xa5: {  	s26 =	simm.s32 $execute0_lowered;
	[smem:$0x3FD2] =	sst s25  }
0xa6: {  	s5 =	sshll.u32 s26, $0x1;
	_ =	strace $0x80000046;
	[dreg:$0x1] =	wrdreg $0xFFFFFFFF  }
0xa7: {  	s28 =	simm.s32 $_size_execute0_lowered;
	s3 =	sadd.s32 s3, s5;
	[dreg:$0x0] =	wrdreg $0x0  }
0xa8: {  	s5 =	sshll.u32 s28, $0x1;
	[dreg:$0x2] =	wrdreg s3  }
0xa9: {  	[dreg:$0x3] =	wrdreg s5  }
0xaa: {  	[dreg:$0x4] =	wrdreg $0xC0  }
0xab: {  	_ =	task [dreg:s7], $0x5FFFF  }
0xac: {  	[dreg:$0x1] =	wrdreg $0xFFFFFFFF  }
0xad: {  	[dreg:$0x0] =	wrdreg $0x60  }
0xae: {  	[dreg:$0x2] =	wrdreg s24  }
0xaf: {  	[dreg:$0x3] =	wrdreg s2  }
0xb0: {  	[dreg:$0x4] =	wrdreg $0x9  }
0xb1: {  	_ =	task.clear_ibuf [dreg:s7], $0x5FFFF;
	_ =	strace $0x90000046  }
0xb2: {  	s29 =	simm.s32 $0x9;
	_ =	strace $0x80000048  }
0xb3: {  	_ =	swait.ge [sflag:s29], $0x1  }
0xb4: {  	[sflag:s29] =	ssyncadd.s32 $0xFFFFFFFF  }
0xb5: {  	_ =	strace $0x90000048  }
0xb6: {  	_ =	sfence  }
0xb7: {  	s30 =	sld [smem:$0x0];
	_ =	sdelay $0x2  }
0xb8: {  	s31 =	sshll.u32 s1, $0xD;
	s1 =	sshrl.u32 s1, $0x2  }
0xb9: {  	s3 =	sand.u32 $0x4000, s31;
	s1 =	sadd.s32 s1, s30  }
0xba: {  	s0 =	sor.u32 s3, s0;
	s1 =	sshll.u32 s1, $0x11  }
0xbb: {  	s0 =	sor.u32 s1, s0  }
0xbc: {  	s0 =	sadd.s32 $0x8F2B, s0  }
0xbd: {  	[sflag:s0] =	ssyncadd.remote.s32 $0x1  }
0xbe: {  	_ =	sfence.sel $0xFFFF  }
0xbf: {  	[dreg:$0x0] =	wrdreg $0xFFFFFFFF;
	(pc) =	sbr.abs _section_cstart, $3  }
0xc0: {  	[dreg:$0x1] =	wrdreg $0xFFFFFFFF  }
0xc1: {  	_ =	task.clear_ibuf [dreg:s7], $0x2FFFF;
	_ =	strace $0x9FFFFFFF  }
0xc2: {  	(tm) =	ssettm $0x7FFFFFFF  }
0xc3: {  	_ =	shalt  }
tec
execute0_lowered:
.L_overlay_start_1:
0x0: {  	(tag) =	ssettag $0x1  }
0x1: {  	s3 =	stileid.u32  }
0x2: {  	p0 =	sgt.u32 s3, $0x9  }
.Ltmp0:
0x3: {  	_ = 	snop;
	(pc) =	sbr.rel @p0 .LBB2_55-.Ltmp0, $4  }
0x4: {  	_ = 	snop  }
0x5: {  	s1 =	rddreg [dreg:$0x0];
	s2 =	simm.s32 $0x0  }
0x6: {  	[smem:$0x7FF] =	sst s2  }
0x7: {  	s0 =	rddreg [dreg:$0x1];
	_ =	strace $0x80000047  }
0x8: {  	s3 =	srdreg.scid  }
0x9: {  	s7 =	stileid.u32;
	s6 =	sadd.s32 $0xA00, s1;
	s10 =	simm.s32 $0x1400  }
0xa: {  	s11 =	simm.s32 $0xB600;
	s12 =	simm.s32 $0x7880;
	s13 =	simm.s32 $0xA180  }
0xb: {  	s14 =	simm.s32 $0x6400;
	s15 =	simm.s32 $0x8D00;
	s16 =	simm.s32 $0xD200  }
0xc: {  	s17 =	simm.s32 $0xD280;
	s18 =	simm.s32 $0xD300;
	s19 =	simm.s32 $0xD380  }
0xd: {  	s20 =	simm.s32 $0xD400;
	s4 =	sand.u32 $0x1, s3;
	s23 =	sshll.u32 s7, $0x1  }
0xe: {  	s21 =	simm.s32 $0xD480;
	s22 =	simm.s32 $0xD500;
	s3 =	sor.u32 s4, s23  }
0xf: {  	s25 =	sshrl.u32 s7, $0x2;
	s29 =	ssub.s32 $0x2, s4;
	s5 =	smul.u32 $0xA00, s3  }
0x10: {  	s8 =	sshll.u32 s25, $0xC;
	s3 =	sshll.u32 s3, $0x7;
	s9 =	sshrl.u32 s29, $0x1  }
0x11: {  	s26 =	sand.u32 $0x380, s3;
	s24 =	sadd.s32 s5, s1;
	s5 =	smul.u32 $0xA000, s25  }
0x12: {  	v0 =	vlaneseq.u32;
	s30 =	ssub.s32 s29, s9;
	s9 =	simm.s32 $0x1;
	s28 =	sor.u32 s8, s26  }
0x13: {  	v1 =	vmul.u32 $0x40, v0;
	s8 =	simm.s32 $0x400;
	s1 =	sshrl.u32 s28, $0x3;
	s5 =	sor.u32 s5, s26  }
0x14: {  	v2 =	vimm.s32 $0x0;
	v4 =	vimm.s32 $0x3FFFFFF;
	v5 =	vimm.s32 $0x1;
	s3 =	sadd.s32 $0x4600, s24;
	s4 =	sadd.s32 s0, s1;
	s31 =	sshrl.u32 s5, $0x3  }
0x15: {  	v7 =	vimm.f32 $0.0e+00;
	v6 =	vmul.u32 $0x20, v0;
	v3 =	vadd.s32 $0xFFFFFBF9, v1;
	s1 =	simm.s32 $0x80;
	s5 =	sadd.s32 s6, s31;
	s6 =	smax.u32 s30, $0x1  }
.LBB2_2:
0x16: {  	s0 =	simm.s32 $0x0  }
0x17: {  	[tilespmem:s0], [sflag:$0x1] =	stream.strided.gather [hbm4b:s5+s1], $0x1400, s8, s1, $0x38;
	[tilespmem:$0xD700] =	vst v63  }
0x18: {  	_ =	swait.ge [sflag:s9], $0x1400  }
0x19: {  	[sflag:s9] =	ssyncset.done $0x0  }
0x1a: {  	[sflag:s9] =	ssyncadd.s32 $0xFFFFEC00  }
0x1b: {  	[tilespmem:s10], [sflag:$0x1] =	stream.linear.gather [hbm4b:s3+s0], $0x5000, $0x38;
	[tilespmem:$0xD700] =	vst v63  }
0x1c: {  	_ =	swait.ge [sflag:s9], $0x5000  }
0x1d: {  	[sflag:s9] =	ssyncset.done $0x0  }
0x1e: {  	[sflag:s9] =	ssyncadd.s32 $0xFFFFB000  }
0x1f: {  	v8 =	vld [tilespmem:s0+$0x0];
	_ =	sdelay $0x4  }
0x20: {  	vm0 =	vgt.f32 v8, $5.000000070e-02;
	v8 =	vxor.u32 $0x7FFFFFFF, v8  }
0x21: {  	v8 =	vnsel vm0, $0x7FFFFFFF, v8  }
0x22: {  	[tilespmem:s14+$0x0] =	vst v8;
	v8 =	vor.u32 s0, v0  }
0x23: {  	s0 =	simm.s32 $0x10;
	[tilespmem:s15+$0x0] =	vst v8  }
0x24: {  	s24 =	simm.s32 $0x20;
	v8 =	vld [tilespmem:s0+$0x0]  }
0x25: {  	s23 =	simm.s32 $0x6400;
	s25 =	simm.s32 $0x10;
	s1 =	simm.s32 $0x8D00  }
.LBB2_3:
0x26: {  	p0 =	sne.s32 s24, $0x13F0;
	_ =	sdelay $0x2  }
0x27: {  	vm0 =	vgt.f32 v8, $5.000000070e-02;
	v8 =	vxor.u32 $0x7FFFFFFF, v8  }
.Ltmp1:
0x28: {  	s23 =	sadd.s32 $0x10, s23;
	v8 =	vnsel vm0, $0x7FFFFFFF, v8;
	(pc) =	sbr.rel @p0 .LBB2_3-.Ltmp1, $4  }
0x29: {  	s1 =	sadd.s32 $0x10, s1;
	[tilespmem:s23+$0x0] =	vst v8;
	v8 =	vor.u32 s0, v0;
	s0 =	smov.u32 s24  }
0x2a: {  	s25 =	sadd.s32 $0x10, s25;
	[tilespmem:s1+$0x0] =	vst v8  }
0x2b: {  	v8 =	vld [tilespmem:s25+$0x0]  }
0x2c: {  	s24 =	sadd.s32 $0x10, s24  }
0x2d: {  	_ =	sdelay $0x2  }
0x2e: {  	vm0 =	vgt.f32 v8, $5.000000070e-02;
	v8 =	vxor.u32 $0x7FFFFFFF, v8  }
0x2f: {  	s7 =	sadd.s32 $0x10, s23;
	v8 =	vnsel vm0, $0x7FFFFFFF, v8  }
0x30: {  	s31 =	sadd.s32 $0x10, s1;
	[tilespmem:s7+$0x0] =	vst v8;
	v8 =	vor.u32 s0, v0  }
0x31: {  	s1 =	simm.s32 $0x0;
	s0 =	simm.s32 $0x40;
	[tilespmem:s31+$0x0] =	vst v8  }
.LBB2_5:
0x32: {  	p0 =	sne.s32 s0, $0xFC0;
	[tilespmem:s1+$0xB600] =	vst v2;
	s1 =	smov.u32 s0;
	s0 =	sadd.s32 $0x40, s0  }
.Ltmp2:
0x33: {  	(pc) =	sbr.rel @p0 .LBB2_5-.Ltmp2, $2  }
0x34: {  	_ =	sdelay $0x2  }
0x35: {  	s1 =	sshra.s32 s1, $0x2  }
0x36: {  	[tilespmem:s1+$0xB600] =	vst v2;
	s25 =	simm.s32 $0x0;
	s0 =	simm.s32 $0x0  }
.LBB2_7:
0x37: {  	s1 =	sshra.s32 s0, $0x2  }
0x38: {  	v8 =	vld [tilespmem:s1+$0x6400];
	_ =	sdelay $0x4  }
0x39: {  	v8 =	vshrl.u32 v8, $0x14  }
0x3a: {  	v8 =	vmin.u32 v8, $0x446  }
0x3b: {  	p0 =	sne.s32 s0, $0x4FC0;
	v8 =	vadd.s32 v3, v8  }
.Ltmp3:
0x3c: {  	_ = 	snop;
	(pc) =	sbr.rel @p0 .LBB2_7-.Ltmp3, $2  }
0x3d: {  	_ =	sdelay $0x2  }
0x3e: {  	s0 =	sadd.s32 $0x40, s0;
	[tilespmem:v8+s11+$0x0] =	vst.idx.add.s32.msk $0xffff, v5  }
0x3f: {  	v8 =	vor.u32 s25, v1;
	_ =	sdelay $0x4  }
0x40: {  	v8 =	vld.idx.msk [tilespmem:v8+s11+$0x0], $0xffff;
	_ =	sdelay $0x4  }
0x41: {  	(xrf0) =	vadd.scan.msk.s32 $0xffff, v8;
	_ =	sdelay $0x3  }
0x42: {  	s30 =	simm.s32 $0x1  }
0x43: {  	v8 =	vor.u32 s30, v1  }
0x44: {  	s29 =	simm.s32 $0x2;
	v9, _, _ =	vpop (xrf0)  }
0x45: {  	v10 =	vor.u32 s29, v1;
	(v2sf) =	vpush v9, $0xF;
	_ =	sdelay $0x2  }
0x46: {  	v8 =	vld.idx.msk [tilespmem:v8+s11+$0x0], $0xffff;
	_ =	sdelay $0x1  }
0x47: {  	v9 =	vld.idx.msk [tilespmem:v10+s11+$0x0], $0xffff;
	_ =	sdelay $0x2  }
0x48: {  	s26 =	simm.s32 $0x3;
	(xrf0) =	vadd.scan.msk.s32 $0xffff, v8  }
0x49: {  	v10 =	vor.u32 s26, v1  }
0x4a: {  	(xrf0) =	vadd.scan.msk.s32 $0xffff, v9;
	_ =	sdelay $0x3  }
0x4b: {  	v8 =	vld.idx.msk [tilespmem:v10+s11+$0x0], $0xffff;
	v10, _, _ =	vpop (xrf0)  }
0x4c: {  	s0 =	spop (v2sf);
	(v2sf) =	vpush v10, $0xF  }
0x4d: {  	v10, _, _ =	vpop (xrf0)  }
0x4e: {  	(v2sf) =	vpush v10, $0xF  }
0x4f: {  	s28 =	simm.s32 $0x4  }
0x50: {  	v9 =	vor.u32 s28, v1;
	_ =	sdelay $0x2  }
0x51: {  	(xrf0) =	vadd.scan.msk.s32 $0xffff, v8  }
0x52: {  	s24 =	simm.s32 $0x5;
	s31 =	sadd.s32 $0x0, s0  }
0x53: {  	s23 =	simm.s32 $0xFFFFFFFF;
	v8 =	vld.idx.msk [tilespmem:v9+s11+$0x0], $0xffff;
	v9 =	vor.u32 s24, v1;
	s0 =	simm.s32 $0x6;
	p1 =	sgt.s32 s31, $0x3E7  }
.LBB2_9:
0x54: {  	s1 =	smov.u32 s23  }
0x55: {  	p0 =	sne.s32 s0, $0x25;
	p2 =	slt.s32 s23, $0x0;
	s1 =	smov.u32 @p1 s25  }
0x56: {  	s25 =	smov.u32 s30;
	s30 =	smov.u32 s29;
	s23 =	smov.u32 @p2 s1  }
.Ltmp4:
0x57: {  	s29 =	smov.u32 s26;
	s26 =	smov.u32 s28;
	v10, _, _ =	vpop (xrf0);
	(pc) =	sbr.rel @p0 .LBB2_9-.Ltmp4, $4  }
0x58: {  	s28 =	smov.u32 s24;
	s24 =	smov.u32 s0;
	(xrf0) =	vadd.scan.msk.s32 $0xffff, v8;
	(v2sf) =	vpush v10, $0xF  }
0x59: {  	v8 =	vld.idx.msk [tilespmem:v9+s11+$0x0], $0xffff;
	s1 =	spop (v2sf)  }
0x5a: {  	s31 =	sadd.s32 s31, s1  }
0x5b: {  	s0 =	sadd.s32 $0x1, s0;
	v9 =	vor.u32 s24, v1;
	p1 =	sgt.s32 s31, $0x3E7  }
0x5c: {  	_ =	sdelay $0x3  }
0x5d: {  	v9 =	vld.idx.msk [tilespmem:v9+s11+$0x0], $0xffff;
	_ =	sdelay $0x1  }
0x5e: {  	(xrf0) =	vadd.scan.msk.s32 $0xffff, v8;
	_ =	sdelay $0x2  }
0x5f: {  	v8, _, _ =	vpop (xrf0);
	(xrf0) =	vadd.scan.msk.s32 $0xffff, v9  }
0x60: {  	(v2sf) =	vpush v8, $0xF;
	_ =	sdelay $0x1  }
0x61: {  	v8, _, _ =	vpop (xrf0)  }
0x62: {  	(v2sf) =	vpush v8, $0xF;
	_ =	sdelay $0x1  }
0x63: {  	v8, _, _ =	vpop (xrf0)  }
0x64: {  	(v2sf) =	vpush v8, $0xF;
	_ =	sdelay $0x1  }
0x65: {  	s0 =	smov.u32 s23  }
0x66: {  	s1 =	spop (v2sf);
	p0 =	slt.s32 s23, $0x0;
	s0 =	smov.u32 @p1 s25  }
0x67: {  	s31 =	sadd.s32 s31, s1;
	s23 =	smov.u32 @p0 s0  }
0x68: {  	p0 =	sgt.s32 s31, $0x3E7;
	s1 =	smov.u32 s23  }
0x69: {  	p1 =	slt.s32 s23, $0x0;
	s1 =	smov.u32 @p0 s30;
	s7 =	spop (v2sf)  }
0x6a: {  	s23 =	smov.u32 @p1 s1;
	s0 =	sadd.s32 s31, s7  }
0x6b: {  	s1 =	smov.u32 s23;
	p0 =	sgt.s32 s0, $0x3E7  }
0x6c: {  	p1 =	slt.s32 s23, $0x0;
	s1 =	smov.u32 @p0 s29;
	s25 =	spop (v2sf)  }
0x6d: {  	s23 =	smov.u32 @p1 s1;
	s0 =	sadd.s32 s0, s25  }
0x6e: {  	s1 =	smov.u32 s23;
	p0 =	sgt.s32 s0, $0x3E7  }
0x6f: {  	p1 =	slt.s32 s23, $0x0;
	s1 =	smov.u32 @p0 s26;
	s29 =	spop (v2sf)  }
0x70: {  	s23 =	smov.u32 @p1 s1;
	s0 =	sadd.s32 s0, s29  }
0x71: {  	s1 =	smov.u32 s23;
	p0 =	sgt.s32 s0, $0x3E7  }
0x72: {  	p1 =	slt.s32 s23, $0x0;
	s1 =	smov.u32 @p0 s28;
	s30 =	spop (v2sf)  }
0x73: {  	s23 =	smov.u32 @p1 s1;
	s0 =	sadd.s32 s0, s30  }
0x74: {  	p0 =	sgt.s32 s0, $0x3E7;
	s0 =	smov.u32 s23  }
0x75: {  	s31 =	simm.s32 $0x0;
	p1 =	slt.s32 s23, $0x0;
	s0 =	smov.u32 @p0 s24  }
0x76: {  	v9 =	vld [tilespmem:s31+$0x6400];
	s23 =	smov.u32 @p1 s0  }
0x77: {  	s0 =	sshll.u32 s23, $0x14  }
0x78: {  	p0 =	slt.s32 s23, $0x0;
	s0 =	sadd.s32 $0x40800000, s0  }
0x79: {  	s0 =	simm.s32 @p0 $0x44600000  }
0x7a: {  	v8 =	vmov s0  }
0x7b: {  	vm0 =	vlt.s32 v9, v8  }
0x7c: {  	v10 =	vsel vm0, $0x1, v2  }
0x7d: {  	(xrf0) =	vadd.scan.msk.s32 $0xffff, v10;
	_ =	sdelay $0x3  }
0x7e: {  	v10 =	vld [tilespmem:s31+$0x8D00];
	_ =	sdelay $0x1  }
0x7f: {  	v11, _, _ =	vpop (xrf0)  }
0x80: {  	s23 =	simm.s32 $0x0;
	v9 =	vadd.s32 $0xBF800001, v9;
	(v2sf) =	vpush v11, $0xF  }
0x81: {  	[tilespmem:s23+$0x7880] =	vst.msk vm0, v9  }
0x82: {  	s1 =	simm.s32 $0x10;
	s0 =	simm.s32 $0x80;
	[tilespmem:s23+$0xA180] =	vst.msk vm0, v10  }
.LBB2_11:
0x83: {  	p0 =	sne.s32 s0, $0x4FC0;
	v9 =	vld [tilespmem:s1+$0x6400];
	_ =	sdelay $0x4  }
0x84: {  	vm0 =	vlt.s32 v9, v8;
	v9 =	vadd.s32 $0xBF800001, v9  }
0x85: {  	v10 =	vsel vm0, $0x1, v2  }
0x86: {  	(xrf0) =	vadd.scan.msk.s32 $0xffff, v10;
	_ =	sdelay $0x2  }
0x87: {  	v10 =	vld [tilespmem:s1+$0x8D00];
	_ =	sdelay $0x1  }
.Ltmp5:
0x88: {  	s1 =	spop (v2sf);
	(pc) =	sbr.rel @p0 .LBB2_11-.Ltmp5, $4  }
0x89: {  	v11, _, _ =	vpop (xrf0);
	s23 =	sadd.s32 s23, s1  }
0x8a: {  	[tilespmem:s23+$0x7880] =	vst.msk vm0, v9;
	(v2sf) =	vpush v11, $0xF  }
0x8b: {  	[tilespmem:s23+$0xA180] =	vst.msk vm0, v10  }
0x8c: {  	s1 =	sshra.s32 s0, $0x2;
	s0 =	sadd.s32 $0x40, s0  }
0x8d: {  	v9 =	vld [tilespmem:s1+$0x6400];
	_ =	sdelay $0x4  }
0x8e: {  	vm0 =	vlt.s32 v9, v8  }
0x8f: {  	v8 =	vsel vm0, $0x1, v2  }
0x90: {  	(xrf0) =	vadd.scan.msk.s32 $0xffff, v8;
	_ =	sdelay $0x5  }
0x91: {  	v8, _, _ =	vpop (xrf0)  }
0x92: {  	(v2sf) =	vpush v8, $0xF;
	_ =	sdelay $0xa  }
0x93: {  	v8 =	vld [tilespmem:s1+$0x8D00];
	_ =	sdelay $0x1  }
0x94: {  	s0 =	spop (v2sf)  }
0x95: {  	v9 =	vadd.s32 $0xBF800001, v9;
	s0 =	sadd.s32 s23, s0  }
0x96: {  	[tilespmem:s0+$0x7880] =	vst.msk vm0, v9;
	s31 =	spop (v2sf)  }
0x97: {  	[tilespmem:s0+$0xA180] =	vst.msk vm0, v8;
	s23 =	sadd.s32 s0, s31  }
0x98: {  	[tilespmem:s23+$0x7880] =	vst v4  }
0x99: {  	[tilespmem:s23+$0xA180] =	vst v2  }
0x9a: {  	[tilespmem:s23+$0x7890] =	vst v4  }
0x9b: {  	[tilespmem:s23+$0xA190] =	vst v2  }
0x9c: {  	[tilespmem:$0xB600] =	vst v2  }
0x9d: {  	[tilespmem:$0xB610] =	vst v2  }
0x9e: {  	[tilespmem:$0xB620] =	vst v2  }
0x9f: {  	[tilespmem:$0xB630] =	vst v2  }
0xa0: {  	[tilespmem:$0xB640] =	vst v2  }
0xa1: {  	[tilespmem:$0xB650] =	vst v2  }
0xa2: {  	[tilespmem:$0xB660] =	vst v2  }
0xa3: {  	[tilespmem:$0xB670] =	vst v2  }
0xa4: {  	[tilespmem:$0xB680] =	vst v2  }
0xa5: {  	[tilespmem:$0xB690] =	vst v2  }
0xa6: {  	[tilespmem:$0xB6A0] =	vst v2  }
0xa7: {  	[tilespmem:$0xB6B0] =	vst v2  }
0xa8: {  	[tilespmem:$0xB6C0] =	vst v2  }
0xa9: {  	[tilespmem:$0xB6D0] =	vst v2  }
0xaa: {  	[tilespmem:$0xB6E0] =	vst v2  }
0xab: {  	[tilespmem:$0xB6F0] =	vst v2  }
0xac: {  	[tilespmem:$0xB700] =	vst v2  }
0xad: {  	[tilespmem:$0xB710] =	vst v2  }
0xae: {  	[tilespmem:$0xB720] =	vst v2  }
0xaf: {  	[tilespmem:$0xB730] =	vst v2  }
0xb0: {  	[tilespmem:$0xB740] =	vst v2  }
0xb1: {  	[tilespmem:$0xB750] =	vst v2  }
0xb2: {  	[tilespmem:$0xB760] =	vst v2  }
0xb3: {  	[tilespmem:$0xB770] =	vst v2  }
0xb4: {  	s0 =	sadd.s32 $0x1F, s23;
	[tilespmem:$0xB780] =	vst v2  }
0xb5: {  	[tilespmem:$0xB790] =	vst v2;
	s25 =	sshra.s32 s0, $0x4  }
0xb6: {  	[tilespmem:$0xB7A0] =	vst v2;
	p1 =	sgt.s32 s25, $0x1  }
.Ltmp6:
0xb7: {  	[tilespmem:$0xB7B0] =	vst v2;
	(pc) =	sbr.rel @!p1 .LBB2_13-.Ltmp6, $4  }
0xb8: {  	[tilespmem:$0xB7C0] =	vst v2  }
0xb9: {  	[tilespmem:$0xB7D0] =	vst v2  }
0xba: {  	[tilespmem:$0xB7E0] =	vst v2;
	s24 =	sand.u32 $0xFFFFFFFE, s25  }
0xbb: {  	[tilespmem:$0xB7F0] =	vst v2;
	v8 =	vmul.u32 s24, v0  }
0xbc: {  	_ =	sdelay $0x4  }
0xbd: {  	v10 =	vld.idx.msk [tilespmem:v8+s12+$0x0], $0xffff;
	_ =	sdelay $0x1  }
0xbe: {  	p0 =	seq.s32 s24, $0x1  }
.Ltmp7:
0xbf: {  	_ = 	snop;
	(pc) =	sbr.rel @p0 .LBB2_58-.Ltmp7, $4  }
0xc0: {  	_ = 	snop  }
0xc1: {  	v10 =	vand.u32 $0x1F, v10  }
0xc2: {  	s1 =	simm.s32 $0x0;
	v9 =	vadd.s32 $0x1, v8;
	v10 =	vor.u32 v6, v10  }
0xc3: {  	s0 =	simm.s32 $0x1;
	v11 =	vadd.s32 s1, v9  }
.LBB2_57:
0xc4: {  	_ =	sdelay $0x2  }
0xc5: {  	[tilespmem:v10+s11+$0x0] =	vst.idx.add.s32.msk $0xffff, v5;
	s1 =	smov.u32 s0;
	s0 =	sadd.s32 $0x1, s0  }
0xc6: {  	v10 =	vld.idx.msk [tilespmem:v11+s12+$0x0], $0xffff;
	p0 =	seq.s32 s24, s0;
	_ =	sdelay $0x3  }
.Ltmp8:
0xc7: {  	(pc) =	sbr.rel @!p0 .LBB2_57-.Ltmp8, $4  }
0xc8: {  	_ = 	snop  }
0xc9: {  	v10 =	vand.u32 $0x1F, v10  }
0xca: {  	v10 =	vor.u32 v6, v10  }
0xcb: {  	v11 =	vadd.s32 s1, v9  }
.LBB2_58:
0xcc: {  	_ =	sdelay $0x3  }
0xcd: {  	[tilespmem:v10+s11+$0x0] =	vst.idx.add.s32.msk $0xffff, v5  }
.LBB2_13:
0xce: {  	s26 =	simm.s32 $0x0  }
0xcf: {  	v9 =	vor.u32 s26, v6;
	_ =	sdelay $0x4  }
0xd0: {  	v11 =	vld.idx.msk [tilespmem:v9+s11+$0x0], $0xffff;
	_ =	sdelay $0x4  }
0xd1: {  	(xrf0) =	vadd.scan.msk.s32 $0xffff, v11;
	_ =	sdelay $0x4  }
0xd2: {  	s0 =	simm.s32 $0x1  }
0xd3: {  	v10 =	vor.u32 s0, v6;
	s0 =	simm.s32 $0x2;
	v12, _, _ =	vpop (xrf0)  }
.LBB2_14:
0xd4: {  	p0 =	seq.s32 s0, $0x1F;
	v11 =	vsub.s32 s26, v11;
	(v2sf) =	vpush v12, $0xF  }
0xd5: {  	v11 =	vadd.s32 v12, v11  }
0xd6: {  	[tilespmem:v9+s11+$0x0] =	vst.idx.msk $0xffff, v11;
	v9 =	vmov v10;
	_ =	sdelay $0x1  }
0xd7: {  	v11 =	vld.idx.msk [tilespmem:v10+s11+$0x0], $0xffff;
	_ =	sdelay $0x5  }
0xd8: {  	(xrf0) =	vadd.scan.msk.s32 $0xffff, v11;
	_ =	sdelay $0x1  }
.Ltmp9:
0xd9: {  	(pc) =	sbr.rel @!p0 .LBB2_14-.Ltmp9, $3  }
0xda: {  	_ =	sdelay $0x1  }
0xdb: {  	s1 =	spop (v2sf)  }
0xdc: {  	v10 =	vor.u32 s0, v6;
	s0 =	sadd.s32 $0x1, s0;
	v12, _, _ =	vpop (xrf0);
	s26 =	sadd.s32 s26, s1  }
0xdd: {  	_ =	sdelay $0x1  }
0xde: {  	v11 =	vsub.s32 s26, v11  }
0xdf: {  	v11 =	vadd.s32 v12, v11  }
0xe0: {  	[tilespmem:v9+s11+$0x0] =	vst.idx.msk $0xffff, v11  }
0xe1: {  	v9 =	vld.idx.msk [tilespmem:v10+s11+$0x0], $0xffff;
	_ =	sdelay $0x4  }
0xe2: {  	(xrf0) =	vadd.scan.msk.s32 $0xffff, v9;
	_ =	sdelay $0x2  }
0xe3: {  	(v2sf) =	vpush v12, $0xF;
	_ =	sdelay $0x2  }
0xe4: {  	v11, _, _ =	vpop (xrf0)  }
0xe5: {  	(v2sf) =	vpush v11, $0xF;
	_ =	sdelay $0x9  }
0xe6: {  	p0 =	slt.s32 s25, $0x2  }
.Ltmp10:
0xe7: {  	s0 =	spop (v2sf);
	(pc) =	sbr.rel @p0 .LBB2_19-.Ltmp10, $4  }
0xe8: {  	s0 =	sadd.s32 s26, s0  }
0xe9: {  	v9 =	vsub.s32 s0, v9  }
0xea: {  	v9 =	vadd.s32 v11, v9  }
0xeb: {  	[tilespmem:v10+s11+$0x0] =	vst.idx.msk $0xffff, v9;
	s31 =	spop (v2sf)  }
0xec: {  	s0 =	simm.s32 $0x0  }
0xed: {  	v10 =	vadd.s32 s0, v8;
	_ =	sdelay $0x4  }
0xee: {  	v9 =	vld.idx.msk [tilespmem:v10+s12+$0x0], $0xffff;
	_ =	sdelay $0x4  }
0xef: {  	v11 =	vand.u32 $0x1F, v9  }
0xf0: {  	p2 =	seq.s32 s24, $0x1;
	v11 =	vor.u32 v6, v11  }
.Ltmp11:
0xf1: {  	_ = 	snop;
	(pc) =	sbr.rel @p2 .LBB2_18-.Ltmp11, $3  }
0xf2: {  	_ =	sdelay $0x1  }
0xf3: {  	v10 =	vld.idx.msk [tilespmem:v10+s13+$0x0], $0xffff  }
0xf4: {  	s0 =	simm.s32 $0x1;
	v12 =	vld.idx.msk [tilespmem:v11+s11+$0x0], $0xffff  }
.LBB2_17:
0xf5: {  	_ =	sdelay $0x4  }
0xf6: {  	v13 =	vadd.s32 s0, v8;
	_ =	sdelay $0x1  }
0xf7: {  	s0 =	sadd.s32 $0x1, s0;
	[tilespmem:v12+s14+$0x0] =	vst.idx.msk $0xffff, v9  }
0xf8: {  	p2 =	seq.s32 s24, s0;
	[tilespmem:v12+s15+$0x0] =	vst.idx.msk $0xffff, v10  }
0xf9: {  	[tilespmem:v11+s11+$0x0] =	vst.idx.add.s32.msk $0xffff, v5  }
0xfa: {  	v9 =	vld.idx.msk [tilespmem:v13+s12+$0x0], $0xffff  }
0xfb: {  	v10 =	vld.idx.msk [tilespmem:v13+s13+$0x0], $0xffff;
	_ =	sdelay $0x4  }
0xfc: {  	v11 =	vand.u32 $0x1F, v9  }
0xfd: {  	v11 =	vor.u32 v6, v11  }
.Ltmp12:
0xfe: {  	(pc) =	sbr.rel @!p2 .LBB2_17-.Ltmp12, $2  }
0xff: {  	_ =	sdelay $0x2  }
0x100: {  	v12 =	vld.idx.msk [tilespmem:v11+s11+$0x0], $0xffff  }
.LBB2_18:
0x101: {  	_ =	sdelay $0x7  }
0x102: {  	[tilespmem:v12+s14+$0x0] =	vst.idx.msk $0xffff, v9  }
0x103: {  	[tilespmem:v12+s15+$0x0] =	vst.idx.msk $0xffff, v10  }
0x104: {  	[tilespmem:v11+s11+$0x0] =	vst.idx.add.s32.msk $0xffff, v5  }
.LBB2_19:
0x105: {  	[tilespmem:$0xB600] =	vst v2  }
0x106: {  	[tilespmem:$0xB610] =	vst v2  }
0x107: {  	[tilespmem:$0xB620] =	vst v2  }
0x108: {  	[tilespmem:$0xB630] =	vst v2  }
0x109: {  	[tilespmem:$0xB640] =	vst v2  }
0x10a: {  	[tilespmem:$0xB650] =	vst v2  }
0x10b: {  	[tilespmem:$0xB660] =	vst v2  }
0x10c: {  	[tilespmem:$0xB670] =	vst v2  }
0x10d: {  	[tilespmem:$0xB680] =	vst v2  }
0x10e: {  	[tilespmem:$0xB690] =	vst v2  }
0x10f: {  	[tilespmem:$0xB6A0] =	vst v2  }
0x110: {  	[tilespmem:$0xB6B0] =	vst v2  }
0x111: {  	[tilespmem:$0xB6C0] =	vst v2  }
0x112: {  	[tilespmem:$0xB6D0] =	vst v2  }
0x113: {  	[tilespmem:$0xB6E0] =	vst v2  }
0x114: {  	[tilespmem:$0xB6F0] =	vst v2  }
0x115: {  	[tilespmem:$0xB700] =	vst v2  }
0x116: {  	[tilespmem:$0xB710] =	vst v2  }
0x117: {  	[tilespmem:$0xB720] =	vst v2  }
0x118: {  	[tilespmem:$0xB730] =	vst v2  }
0x119: {  	[tilespmem:$0xB740] =	vst v2  }
0x11a: {  	[tilespmem:$0xB750] =	vst v2  }
0x11b: {  	[tilespmem:$0xB760] =	vst v2  }
0x11c: {  	[tilespmem:$0xB770] =	vst v2  }
0x11d: {  	[tilespmem:$0xB780] =	vst v2  }
0x11e: {  	[tilespmem:$0xB790] =	vst v2  }
0x11f: {  	[tilespmem:$0xB7A0] =	vst v2  }
.Ltmp13:
0x120: {  	[tilespmem:$0xB7B0] =	vst v2;
	(pc) =	sbr.rel @!p1 .LBB2_20-.Ltmp13, $4  }
0x121: {  	[tilespmem:$0xB7C0] =	vst v2  }
0x122: {  	[tilespmem:$0xB7D0] =	vst v2  }
0x123: {  	[tilespmem:$0xB7E0] =	vst v2  }
0x124: {  	[tilespmem:$0xB7F0] =	vst v2  }
0x125: {  	_ =	sdelay $0x3  }
0x126: {  	v9 =	vld.idx.msk [tilespmem:v8+s14+$0x0], $0xffff;
	_ =	sdelay $0x2  }
0x127: {  	p2 =	seq.s32 s24, $0x1  }
.Ltmp14:
0x128: {  	_ = 	snop;
	(pc) =	sbr.rel @p2 .LBB2_61-.Ltmp14, $4  }
0x129: {  	v10 =	vshrl.u32 v9, $0x5  }
0x12a: {  	v10 =	vand.u32 $0x1F, v10  }
0x12b: {  	s1 =	simm.s32 $0x0;
	v9 =	vadd.s32 $0x1, v8;
	v10 =	vor.u32 v6, v10  }
0x12c: {  	s0 =	simm.s32 $0x1;
	v11 =	vadd.s32 s1, v9  }
.LBB2_60:
0x12d: {  	_ =	sdelay $0x2  }
0x12e: {  	[tilespmem:v10+s11+$0x0] =	vst.idx.add.s32.msk $0xffff, v5;
	s1 =	smov.u32 s0;
	s0 =	sadd.s32 $0x1, s0  }
0x12f: {  	v10 =	vld.idx.msk [tilespmem:v11+s14+$0x0], $0xffff;
	p2 =	seq.s32 s24, s0;
	_ =	sdelay $0x4  }
.Ltmp15:
0x130: {  	(pc) =	sbr.rel @!p2 .LBB2_60-.Ltmp15, $4  }
0x131: {  	v10 =	vshrl.u32 v10, $0x5  }
0x132: {  	v10 =	vand.u32 $0x1F, v10  }
0x133: {  	v10 =	vor.u32 v6, v10  }
0x134: {  	v11 =	vadd.s32 s1, v9  }
.LBB2_61:
0x135: {  	_ =	sdelay $0x3  }
0x136: {  	[tilespmem:v10+s11+$0x0] =	vst.idx.add.s32.msk $0xffff, v5  }
.LBB2_20:
0x137: {  	s25 =	simm.s32 $0x0  }
0x138: {  	v9 =	vor.u32 s25, v6;
	_ =	sdelay $0x4  }
0x139: {  	v11 =	vld.idx.msk [tilespmem:v9+s11+$0x0], $0xffff;
	_ =	sdelay $0x4  }
0x13a: {  	(xrf0) =	vadd.scan.msk.s32 $0xffff, v11;
	_ =	sdelay $0x4  }
0x13b: {  	s0 =	simm.s32 $0x1  }
0x13c: {  	v10 =	vor.u32 s0, v6;
	s0 =	simm.s32 $0x2;
	v12, _, _ =	vpop (xrf0)  }
.LBB2_21:
0x13d: {  	p2 =	seq.s32 s0, $0x1F;
	v11 =	vsub.s32 s25, v11;
	(v2sf) =	vpush v12, $0xF  }
0x13e: {  	v11 =	vadd.s32 v12, v11  }
0x13f: {  	[tilespmem:v9+s11+$0x0] =	vst.idx.msk $0xffff, v11;
	v9 =	vmov v10;
	_ =	sdelay $0x1  }
0x140: {  	v11 =	vld.idx.msk [tilespmem:v10+s11+$0x0], $0xffff;
	_ =	sdelay $0x5  }
0x141: {  	(xrf0) =	vadd.scan.msk.s32 $0xffff, v11;
	_ =	sdelay $0x1  }
.Ltmp16:
0x142: {  	(pc) =	sbr.rel @!p2 .LBB2_21-.Ltmp16, $3  }
0x143: {  	_ =	sdelay $0x1  }
0x144: {  	s1 =	spop (v2sf)  }
0x145: {  	v10 =	vor.u32 s0, v6;
	s0 =	sadd.s32 $0x1, s0;
	v12, _, _ =	vpop (xrf0);
	s25 =	sadd.s32 s25, s1  }
0x146: {  	_ =	sdelay $0x1  }
0x147: {  	v11 =	vsub.s32 s25, v11  }
0x148: {  	v11 =	vadd.s32 v12, v11  }
0x149: {  	[tilespmem:v9+s11+$0x0] =	vst.idx.msk $0xffff, v11  }
0x14a: {  	v9 =	vld.idx.msk [tilespmem:v10+s11+$0x0], $0xffff;
	_ =	sdelay $0x4  }
0x14b: {  	(xrf0) =	vadd.scan.msk.s32 $0xffff, v9;
	_ =	sdelay $0x2  }
0x14c: {  	(v2sf) =	vpush v12, $0xF;
	_ =	sdelay $0x2  }
0x14d: {  	v11, _, _ =	vpop (xrf0)  }
0x14e: {  	(v2sf) =	vpush v11, $0xF;
	_ =	sdelay $0xa  }
.Ltmp17:
0x14f: {  	s0 =	spop (v2sf);
	(pc) =	sbr.rel @p0 .LBB2_26-.Ltmp17, $4  }
0x150: {  	s0 =	sadd.s32 s25, s0  }
0x151: {  	v9 =	vsub.s32 s0, v9  }
0x152: {  	v9 =	vadd.s32 v11, v9  }
0x153: {  	[tilespmem:v10+s11+$0x0] =	vst.idx.msk $0xffff, v9;
	s31 =	spop (v2sf)  }
0x154: {  	s0 =	simm.s32 $0x0  }
0x155: {  	v10 =	vadd.s32 s0, v8;
	_ =	sdelay $0x4  }
0x156: {  	v9 =	vld.idx.msk [tilespmem:v10+s14+$0x0], $0xffff;
	_ =	sdelay $0x4  }
0x157: {  	v11 =	vshrl.u32 v9, $0x5  }
0x158: {  	v11 =	vand.u32 $0x1F, v11  }
0x159: {  	p2 =	seq.s32 s24, $0x1;
	v11 =	vor.u32 v6, v11  }
.Ltmp18:
0x15a: {  	_ = 	snop;
	(pc) =	sbr.rel @p2 .LBB2_25-.Ltmp18, $3  }
0x15b: {  	_ =	sdelay $0x1  }
0x15c: {  	v10 =	vld.idx.msk [tilespmem:v10+s15+$0x0], $0xffff  }
0x15d: {  	s0 =	simm.s32 $0x1;
	v12 =	vld.idx.msk [tilespmem:v11+s11+$0x0], $0xffff  }
.LBB2_24:
0x15e: {  	_ =	sdelay $0x4  }
0x15f: {  	v13 =	vadd.s32 s0, v8;
	_ =	sdelay $0x1  }
0x160: {  	s0 =	sadd.s32 $0x1, s0;
	[tilespmem:v12+s12+$0x0] =	vst.idx.msk $0xffff, v9  }
0x161: {  	p2 =	seq.s32 s24, s0;
	[tilespmem:v12+s13+$0x0] =	vst.idx.msk $0xffff, v10  }
0x162: {  	[tilespmem:v11+s11+$0x0] =	vst.idx.add.s32.msk $0xffff, v5  }
0x163: {  	v9 =	vld.idx.msk [tilespmem:v13+s14+$0x0], $0xffff  }
0x164: {  	v10 =	vld.idx.msk [tilespmem:v13+s15+$0x0], $0xffff;
	_ =	sdelay $0x4  }
0x165: {  	v11 =	vshrl.u32 v9, $0x5  }
0x166: {  	v11 =	vand.u32 $0x1F, v11  }
0x167: {  	v11 =	vor.u32 v6, v11  }
.Ltmp19:
0x168: {  	(pc) =	sbr.rel @!p2 .LBB2_24-.Ltmp19, $2  }
0x169: {  	_ =	sdelay $0x2  }
0x16a: {  	v12 =	vld.idx.msk [tilespmem:v11+s11+$0x0], $0xffff  }
.LBB2_25:
0x16b: {  	_ =	sdelay $0x7  }
0x16c: {  	[tilespmem:v12+s12+$0x0] =	vst.idx.msk $0xffff, v9  }
0x16d: {  	[tilespmem:v12+s13+$0x0] =	vst.idx.msk $0xffff, v10  }
0x16e: {  	[tilespmem:v11+s11+$0x0] =	vst.idx.add.s32.msk $0xffff, v5  }
.LBB2_26:
0x16f: {  	[tilespmem:$0xB600] =	vst v2  }
0x170: {  	[tilespmem:$0xB610] =	vst v2  }
0x171: {  	[tilespmem:$0xB620] =	vst v2  }
0x172: {  	[tilespmem:$0xB630] =	vst v2  }
0x173: {  	[tilespmem:$0xB640] =	vst v2  }
0x174: {  	[tilespmem:$0xB650] =	vst v2  }
0x175: {  	[tilespmem:$0xB660] =	vst v2  }
0x176: {  	[tilespmem:$0xB670] =	vst v2  }
0x177: {  	[tilespmem:$0xB680] =	vst v2  }
0x178: {  	[tilespmem:$0xB690] =	vst v2  }
0x179: {  	[tilespmem:$0xB6A0] =	vst v2  }
0x17a: {  	[tilespmem:$0xB6B0] =	vst v2  }
0x17b: {  	[tilespmem:$0xB6C0] =	vst v2  }
0x17c: {  	[tilespmem:$0xB6D0] =	vst v2  }
0x17d: {  	[tilespmem:$0xB6E0] =	vst v2  }
0x17e: {  	[tilespmem:$0xB6F0] =	vst v2  }
0x17f: {  	[tilespmem:$0xB700] =	vst v2  }
0x180: {  	[tilespmem:$0xB710] =	vst v2  }
0x181: {  	[tilespmem:$0xB720] =	vst v2  }
0x182: {  	[tilespmem:$0xB730] =	vst v2  }
0x183: {  	[tilespmem:$0xB740] =	vst v2  }
0x184: {  	[tilespmem:$0xB750] =	vst v2  }
0x185: {  	[tilespmem:$0xB760] =	vst v2  }
0x186: {  	[tilespmem:$0xB770] =	vst v2  }
0x187: {  	[tilespmem:$0xB780] =	vst v2  }
0x188: {  	[tilespmem:$0xB790] =	vst v2  }
0x189: {  	[tilespmem:$0xB7A0] =	vst v2  }
.Ltmp20:
0x18a: {  	[tilespmem:$0xB7B0] =	vst v2;
	(pc) =	sbr.rel @!p1 .LBB2_27-.Ltmp20, $4  }
0x18b: {  	[tilespmem:$0xB7C0] =	vst v2  }
0x18c: {  	[tilespmem:$0xB7D0] =	vst v2  }
0x18d: {  	[tilespmem:$0xB7E0] =	vst v2  }
0x18e: {  	[tilespmem:$0xB7F0] =	vst v2  }
0x18f: {  	_ =	sdelay $0x3  }
0x190: {  	v9 =	vld.idx.msk [tilespmem:v8+s12+$0x0], $0xffff;
	_ =	sdelay $0x2  }
0x191: {  	p2 =	seq.s32 s24, $0x1  }
.Ltmp21:
0x192: {  	_ = 	snop;
	(pc) =	sbr.rel @p2 .LBB2_64-.Ltmp21, $4  }
0x193: {  	v10 =	vshrl.u32 v9, $0xA  }
0x194: {  	v10 =	vand.u32 $0x1F, v10  }
0x195: {  	s1 =	simm.s32 $0x0;
	v9 =	vadd.s32 $0x1, v8;
	v10 =	vor.u32 v6, v10  }
0x196: {  	s0 =	simm.s32 $0x1;
	v11 =	vadd.s32 s1, v9  }
.LBB2_63:
0x197: {  	_ =	sdelay $0x2  }
0x198: {  	[tilespmem:v10+s11+$0x0] =	vst.idx.add.s32.msk $0xffff, v5;
	s1 =	smov.u32 s0;
	s0 =	sadd.s32 $0x1, s0  }
0x199: {  	v10 =	vld.idx.msk [tilespmem:v11+s12+$0x0], $0xffff;
	p2 =	seq.s32 s24, s0;
	_ =	sdelay $0x4  }
.Ltmp22:
0x19a: {  	(pc) =	sbr.rel @!p2 .LBB2_63-.Ltmp22, $4  }
0x19b: {  	v10 =	vshrl.u32 v10, $0xA  }
0x19c: {  	v10 =	vand.u32 $0x1F, v10  }
0x19d: {  	v10 =	vor.u32 v6, v10  }
0x19e: {  	v11 =	vadd.s32 s1, v9  }
.LBB2_64:
0x19f: {  	_ =	sdelay $0x3  }
0x1a0: {  	[tilespmem:v10+s11+$0x0] =	vst.idx.add.s32.msk $0xffff, v5  }
.LBB2_27:
0x1a1: {  	s25 =	simm.s32 $0x0  }
0x1a2: {  	v9 =	vor.u32 s25, v6;
	_ =	sdelay $0x4  }
0x1a3: {  	v11 =	vld.idx.msk [tilespmem:v9+s11+$0x0], $0xffff;
	_ =	sdelay $0x4  }
0x1a4: {  	(xrf0) =	vadd.scan.msk.s32 $0xffff, v11;
	_ =	sdelay $0x4  }
0x1a5: {  	s0 =	simm.s32 $0x1  }
0x1a6: {  	v10 =	vor.u32 s0, v6;
	s0 =	simm.s32 $0x2;
	v12, _, _ =	vpop (xrf0)  }
.LBB2_28:
0x1a7: {  	p2 =	seq.s32 s0, $0x1F;
	v11 =	vsub.s32 s25, v11;
	(v2sf) =	vpush v12, $0xF  }
0x1a8: {  	v11 =	vadd.s32 v12, v11  }
0x1a9: {  	[tilespmem:v9+s11+$0x0] =	vst.idx.msk $0xffff, v11;
	v9 =	vmov v10;
	_ =	sdelay $0x1  }
0x1aa: {  	v11 =	vld.idx.msk [tilespmem:v10+s11+$0x0], $0xffff;
	_ =	sdelay $0x5  }
0x1ab: {  	(xrf0) =	vadd.scan.msk.s32 $0xffff, v11;
	_ =	sdelay $0x1  }
.Ltmp23:
0x1ac: {  	(pc) =	sbr.rel @!p2 .LBB2_28-.Ltmp23, $3  }
0x1ad: {  	_ =	sdelay $0x1  }
0x1ae: {  	s1 =	spop (v2sf)  }
0x1af: {  	v10 =	vor.u32 s0, v6;
	s0 =	sadd.s32 $0x1, s0;
	v12, _, _ =	vpop (xrf0);
	s25 =	sadd.s32 s25, s1  }
0x1b0: {  	_ =	sdelay $0x1  }
0x1b1: {  	v11 =	vsub.s32 s25, v11  }
0x1b2: {  	v11 =	vadd.s32 v12, v11  }
0x1b3: {  	[tilespmem:v9+s11+$0x0] =	vst.idx.msk $0xffff, v11  }
0x1b4: {  	v9 =	vld.idx.msk [tilespmem:v10+s11+$0x0], $0xffff;
	_ =	sdelay $0x4  }
0x1b5: {  	(xrf0) =	vadd.scan.msk.s32 $0xffff, v9;
	_ =	sdelay $0x2  }
0x1b6: {  	(v2sf) =	vpush v12, $0xF;
	_ =	sdelay $0x2  }
0x1b7: {  	v11, _, _ =	vpop (xrf0)  }
0x1b8: {  	(v2sf) =	vpush v11, $0xF;
	_ =	sdelay $0xa  }
.Ltmp24:
0x1b9: {  	s0 =	spop (v2sf);
	(pc) =	sbr.rel @p0 .LBB2_33-.Ltmp24, $4  }
0x1ba: {  	s0 =	sadd.s32 s25, s0  }
0x1bb: {  	v9 =	vsub.s32 s0, v9  }
0x1bc: {  	v9 =	vadd.s32 v11, v9  }
0x1bd: {  	[tilespmem:v10+s11+$0x0] =	vst.idx.msk $0xffff, v9;
	s31 =	spop (v2sf)  }
0x1be: {  	s0 =	simm.s32 $0x0  }
0x1bf: {  	v10 =	vadd.s32 s0, v8;
	_ =	sdelay $0x4  }
0x1c0: {  	v9 =	vld.idx.msk [tilespmem:v10+s12+$0x0], $0xffff;
	_ =	sdelay $0x4  }
0x1c1: {  	v11 =	vshrl.u32 v9, $0xA  }
0x1c2: {  	v11 =	vand.u32 $0x1F, v11  }
0x1c3: {  	p2 =	seq.s32 s24, $0x1;
	v11 =	vor.u32 v6, v11  }
.Ltmp25:
0x1c4: {  	_ = 	snop;
	(pc) =	sbr.rel @p2 .LBB2_32-.Ltmp25, $3  }
0x1c5: {  	_ =	sdelay $0x1  }
0x1c6: {  	v10 =	vld.idx.msk [tilespmem:v10+s13+$0x0], $0xffff  }
0x1c7: {  	s0 =	simm.s32 $0x1;
	v12 =	vld.idx.msk [tilespmem:v11+s11+$0x0], $0xffff  }
.LBB2_31:
0x1c8: {  	_ =	sdelay $0x4  }
0x1c9: {  	v13 =	vadd.s32 s0, v8;
	_ =	sdelay $0x1  }
0x1ca: {  	s0 =	sadd.s32 $0x1, s0;
	[tilespmem:v12+s14+$0x0] =	vst.idx.msk $0xffff, v9  }
0x1cb: {  	p2 =	seq.s32 s24, s0;
	[tilespmem:v12+s15+$0x0] =	vst.idx.msk $0xffff, v10  }
0x1cc: {  	[tilespmem:v11+s11+$0x0] =	vst.idx.add.s32.msk $0xffff, v5  }
0x1cd: {  	v9 =	vld.idx.msk [tilespmem:v13+s12+$0x0], $0xffff  }
0x1ce: {  	v10 =	vld.idx.msk [tilespmem:v13+s13+$0x0], $0xffff;
	_ =	sdelay $0x4  }
0x1cf: {  	v11 =	vshrl.u32 v9, $0xA  }
0x1d0: {  	v11 =	vand.u32 $0x1F, v11  }
0x1d1: {  	v11 =	vor.u32 v6, v11  }
.Ltmp26:
0x1d2: {  	(pc) =	sbr.rel @!p2 .LBB2_31-.Ltmp26, $2  }
0x1d3: {  	_ =	sdelay $0x2  }
0x1d4: {  	v12 =	vld.idx.msk [tilespmem:v11+s11+$0x0], $0xffff  }
.LBB2_32:
0x1d5: {  	_ =	sdelay $0x7  }
0x1d6: {  	[tilespmem:v12+s14+$0x0] =	vst.idx.msk $0xffff, v9  }
0x1d7: {  	[tilespmem:v12+s15+$0x0] =	vst.idx.msk $0xffff, v10  }
0x1d8: {  	[tilespmem:v11+s11+$0x0] =	vst.idx.add.s32.msk $0xffff, v5  }
.LBB2_33:
0x1d9: {  	[tilespmem:$0xB600] =	vst v2  }
0x1da: {  	[tilespmem:$0xB610] =	vst v2  }
0x1db: {  	[tilespmem:$0xB620] =	vst v2  }
0x1dc: {  	[tilespmem:$0xB630] =	vst v2  }
0x1dd: {  	[tilespmem:$0xB640] =	vst v2  }
0x1de: {  	[tilespmem:$0xB650] =	vst v2  }
0x1df: {  	[tilespmem:$0xB660] =	vst v2  }
0x1e0: {  	[tilespmem:$0xB670] =	vst v2  }
0x1e1: {  	[tilespmem:$0xB680] =	vst v2  }
0x1e2: {  	[tilespmem:$0xB690] =	vst v2  }
0x1e3: {  	[tilespmem:$0xB6A0] =	vst v2  }
0x1e4: {  	[tilespmem:$0xB6B0] =	vst v2  }
0x1e5: {  	[tilespmem:$0xB6C0] =	vst v2  }
0x1e6: {  	[tilespmem:$0xB6D0] =	vst v2  }
0x1e7: {  	[tilespmem:$0xB6E0] =	vst v2  }
0x1e8: {  	[tilespmem:$0xB6F0] =	vst v2  }
0x1e9: {  	[tilespmem:$0xB700] =	vst v2  }
0x1ea: {  	[tilespmem:$0xB710] =	vst v2  }
0x1eb: {  	[tilespmem:$0xB720] =	vst v2  }
0x1ec: {  	[tilespmem:$0xB730] =	vst v2  }
0x1ed: {  	[tilespmem:$0xB740] =	vst v2  }
0x1ee: {  	[tilespmem:$0xB750] =	vst v2  }
0x1ef: {  	[tilespmem:$0xB760] =	vst v2  }
0x1f0: {  	[tilespmem:$0xB770] =	vst v2  }
0x1f1: {  	[tilespmem:$0xB780] =	vst v2  }
0x1f2: {  	[tilespmem:$0xB790] =	vst v2  }
0x1f3: {  	[tilespmem:$0xB7A0] =	vst v2  }
.Ltmp27:
0x1f4: {  	[tilespmem:$0xB7B0] =	vst v2;
	(pc) =	sbr.rel @!p1 .LBB2_34-.Ltmp27, $4  }
0x1f5: {  	[tilespmem:$0xB7C0] =	vst v2  }
0x1f6: {  	[tilespmem:$0xB7D0] =	vst v2  }
0x1f7: {  	[tilespmem:$0xB7E0] =	vst v2  }
0x1f8: {  	[tilespmem:$0xB7F0] =	vst v2  }
0x1f9: {  	_ =	sdelay $0x3  }
0x1fa: {  	v9 =	vld.idx.msk [tilespmem:v8+s14+$0x0], $0xffff;
	_ =	sdelay $0x2  }
0x1fb: {  	p2 =	seq.s32 s24, $0x1  }
.Ltmp28:
0x1fc: {  	_ = 	snop;
	(pc) =	sbr.rel @p2 .LBB2_67-.Ltmp28, $4  }
0x1fd: {  	v10 =	vshrl.u32 v9, $0xF  }
0x1fe: {  	v10 =	vand.u32 $0x1F, v10  }
0x1ff: {  	s1 =	simm.s32 $0x0;
	v9 =	vadd.s32 $0x1, v8;
	v10 =	vor.u32 v6, v10  }
0x200: {  	s0 =	simm.s32 $0x1;
	v11 =	vadd.s32 s1, v9  }
.LBB2_66:
0x201: {  	_ =	sdelay $0x2  }
0x202: {  	[tilespmem:v10+s11+$0x0] =	vst.idx.add.s32.msk $0xffff, v5;
	s1 =	smov.u32 s0;
	s0 =	sadd.s32 $0x1, s0  }
0x203: {  	v10 =	vld.idx.msk [tilespmem:v11+s14+$0x0], $0xffff;
	p2 =	seq.s32 s24, s0;
	_ =	sdelay $0x4  }
.Ltmp29:
0x204: {  	(pc) =	sbr.rel @!p2 .LBB2_66-.Ltmp29, $4  }
0x205: {  	v10 =	vshrl.u32 v10, $0xF  }
0x206: {  	v10 =	vand.u32 $0x1F, v10  }
0x207: {  	v10 =	vor.u32 v6, v10  }
0x208: {  	v11 =	vadd.s32 s1, v9  }
.LBB2_67:
0x209: {  	_ =	sdelay $0x3  }
0x20a: {  	[tilespmem:v10+s11+$0x0] =	vst.idx.add.s32.msk $0xffff, v5  }
.LBB2_34:
0x20b: {  	s25 =	simm.s32 $0x0  }
0x20c: {  	v9 =	vor.u32 s25, v6;
	_ =	sdelay $0x4  }
0x20d: {  	v11 =	vld.idx.msk [tilespmem:v9+s11+$0x0], $0xffff;
	_ =	sdelay $0x4  }
0x20e: {  	(xrf0) =	vadd.scan.msk.s32 $0xffff, v11;
	_ =	sdelay $0x4  }
0x20f: {  	s0 =	simm.s32 $0x1  }
0x210: {  	v10 =	vor.u32 s0, v6;
	s0 =	simm.s32 $0x2;
	v12, _, _ =	vpop (xrf0)  }
.LBB2_35:
0x211: {  	p2 =	seq.s32 s0, $0x1F;
	v11 =	vsub.s32 s25, v11;
	(v2sf) =	vpush v12, $0xF  }
0x212: {  	v11 =	vadd.s32 v12, v11  }
0x213: {  	[tilespmem:v9+s11+$0x0] =	vst.idx.msk $0xffff, v11;
	v9 =	vmov v10;
	_ =	sdelay $0x1  }
0x214: {  	v11 =	vld.idx.msk [tilespmem:v10+s11+$0x0], $0xffff;
	_ =	sdelay $0x5  }
0x215: {  	(xrf0) =	vadd.scan.msk.s32 $0xffff, v11;
	_ =	sdelay $0x1  }
.Ltmp30:
0x216: {  	(pc) =	sbr.rel @!p2 .LBB2_35-.Ltmp30, $3  }
0x217: {  	_ =	sdelay $0x1  }
0x218: {  	s1 =	spop (v2sf)  }
0x219: {  	v10 =	vor.u32 s0, v6;
	s0 =	sadd.s32 $0x1, s0;
	v12, _, _ =	vpop (xrf0);
	s25 =	sadd.s32 s25, s1  }
0x21a: {  	_ =	sdelay $0x1  }
0x21b: {  	v11 =	vsub.s32 s25, v11  }
0x21c: {  	v11 =	vadd.s32 v12, v11  }
0x21d: {  	[tilespmem:v9+s11+$0x0] =	vst.idx.msk $0xffff, v11  }
0x21e: {  	v9 =	vld.idx.msk [tilespmem:v10+s11+$0x0], $0xffff;
	_ =	sdelay $0x4  }
0x21f: {  	(xrf0) =	vadd.scan.msk.s32 $0xffff, v9;
	_ =	sdelay $0x2  }
0x220: {  	(v2sf) =	vpush v12, $0xF;
	_ =	sdelay $0x2  }
0x221: {  	v11, _, _ =	vpop (xrf0)  }
0x222: {  	(v2sf) =	vpush v11, $0xF;
	_ =	sdelay $0xa  }
.Ltmp31:
0x223: {  	s0 =	spop (v2sf);
	(pc) =	sbr.rel @!p1 .LBB2_40-.Ltmp31, $4  }
0x224: {  	s0 =	sadd.s32 s25, s0  }
0x225: {  	v9 =	vsub.s32 s0, v9  }
0x226: {  	v9 =	vadd.s32 v11, v9  }
0x227: {  	[tilespmem:v10+s11+$0x0] =	vst.idx.msk $0xffff, v9;
	s31 =	spop (v2sf)  }
0x228: {  	s0 =	simm.s32 $0x0  }
0x229: {  	v10 =	vadd.s32 s0, v8;
	_ =	sdelay $0x4  }
0x22a: {  	v9 =	vld.idx.msk [tilespmem:v10+s14+$0x0], $0xffff;
	_ =	sdelay $0x4  }
0x22b: {  	v11 =	vshrl.u32 v9, $0xF  }
0x22c: {  	v11 =	vand.u32 $0x1F, v11  }
0x22d: {  	p2 =	seq.s32 s24, $0x1;
	v11 =	vor.u32 v6, v11  }
.Ltmp32:
0x22e: {  	_ = 	snop;
	(pc) =	sbr.rel @p2 .LBB2_39-.Ltmp32, $3  }
0x22f: {  	_ =	sdelay $0x1  }
0x230: {  	v10 =	vld.idx.msk [tilespmem:v10+s15+$0x0], $0xffff  }
0x231: {  	s0 =	simm.s32 $0x1;
	v12 =	vld.idx.msk [tilespmem:v11+s11+$0x0], $0xffff  }
.LBB2_38:
0x232: {  	_ =	sdelay $0x4  }
0x233: {  	v13 =	vadd.s32 s0, v8;
	_ =	sdelay $0x1  }
0x234: {  	s0 =	sadd.s32 $0x1, s0;
	[tilespmem:v12+s12+$0x0] =	vst.idx.msk $0xffff, v9  }
0x235: {  	p2 =	seq.s32 s24, s0;
	[tilespmem:v12+s13+$0x0] =	vst.idx.msk $0xffff, v10  }
0x236: {  	[tilespmem:v11+s11+$0x0] =	vst.idx.add.s32.msk $0xffff, v5  }
0x237: {  	v9 =	vld.idx.msk [tilespmem:v13+s14+$0x0], $0xffff  }
0x238: {  	v10 =	vld.idx.msk [tilespmem:v13+s15+$0x0], $0xffff;
	_ =	sdelay $0x4  }
0x239: {  	v11 =	vshrl.u32 v9, $0xF  }
0x23a: {  	v11 =	vand.u32 $0x1F, v11  }
0x23b: {  	v11 =	vor.u32 v6, v11  }
.Ltmp33:
0x23c: {  	(pc) =	sbr.rel @!p2 .LBB2_38-.Ltmp33, $2  }
0x23d: {  	_ =	sdelay $0x2  }
0x23e: {  	v12 =	vld.idx.msk [tilespmem:v11+s11+$0x0], $0xffff  }
.LBB2_39:
0x23f: {  	_ =	sdelay $0x7  }
0x240: {  	[tilespmem:v12+s12+$0x0] =	vst.idx.msk $0xffff, v9  }
0x241: {  	[tilespmem:v12+s13+$0x0] =	vst.idx.msk $0xffff, v10  }
0x242: {  	[tilespmem:v11+s11+$0x0] =	vst.idx.add.s32.msk $0xffff, v5  }
.LBB2_40:
0x243: {  	s0 =	simm.s32 $0x40;
	s1 =	simm.s32 $0x0  }
.LBB2_41:
0x244: {  	p2 =	seq.s32 s0, $0xFC0;
	[tilespmem:s1+$0xB600] =	vst v2;
	s1 =	smov.u32 s0;
	s0 =	sadd.s32 $0x40, s0  }
.Ltmp34:
0x245: {  	(pc) =	sbr.rel @!p2 .LBB2_41-.Ltmp34, $2  }
0x246: {  	_ =	sdelay $0x2  }
0x247: {  	s1 =	sshra.s32 s1, $0x2  }
.Ltmp35:
0x248: {  	(pc) =	sbr.rel @!p1 .LBB2_43-.Ltmp35, $2  }
0x249: {  	_ =	sdelay $0x2  }
0x24a: {  	[tilespmem:s1+$0xB600] =	vst v2  }
0x24b: {  	_ =	sdelay $0x3  }
0x24c: {  	v10 =	vld.idx.msk [tilespmem:v8+s12+$0x0], $0xffff;
	_ =	sdelay $0x2  }
0x24d: {  	p1 =	seq.s32 s24, $0x1  }
.Ltmp36:
0x24e: {  	_ = 	snop;
	(pc) =	sbr.rel @p1 .LBB2_70-.Ltmp36, $4  }
0x24f: {  	v10 =	vshrl.u32 v10, $0x14  }
0x250: {  	v10 =	vand.u32 $0x3F, v10  }
0x251: {  	v9 =	vadd.s32 $0x1, v8;
	s1 =	simm.s32 $0x0;
	v10 =	vor.u32 v1, v10  }
0x252: {  	s0 =	simm.s32 $0x1;
	v11 =	vadd.s32 s1, v9  }
.LBB2_69:
0x253: {  	_ =	sdelay $0x2  }
0x254: {  	[tilespmem:v10+s11+$0x0] =	vst.idx.add.s32.msk $0xffff, v5;
	s1 =	smov.u32 s0;
	s0 =	sadd.s32 $0x1, s0  }
0x255: {  	v10 =	vld.idx.msk [tilespmem:v11+s12+$0x0], $0xffff;
	p1 =	seq.s32 s24, s0;
	_ =	sdelay $0x4  }
.Ltmp37:
0x256: {  	(pc) =	sbr.rel @!p1 .LBB2_69-.Ltmp37, $4  }
0x257: {  	v10 =	vshrl.u32 v10, $0x14  }
0x258: {  	v10 =	vand.u32 $0x3F, v10  }
0x259: {  	v10 =	vor.u32 v1, v10  }
0x25a: {  	v11 =	vadd.s32 s1, v9  }
.LBB2_70:
0x25b: {  	_ =	sdelay $0x3  }
0x25c: {  	[tilespmem:v10+s11+$0x0] =	vst.idx.add.s32.msk $0xffff, v5  }
.LBB2_43:
0x25d: {  	s25 =	simm.s32 $0x0  }
0x25e: {  	v9 =	vor.u32 s25, v1;
	_ =	sdelay $0x4  }
0x25f: {  	v11 =	vld.idx.msk [tilespmem:v9+s11+$0x0], $0xffff;
	_ =	sdelay $0x4  }
0x260: {  	(xrf0) =	vadd.scan.msk.s32 $0xffff, v11;
	_ =	sdelay $0x4  }
0x261: {  	s0 =	simm.s32 $0x1  }
0x262: {  	v10 =	vor.u32 s0, v1;
	s0 =	simm.s32 $0x2;
	v12, _, _ =	vpop (xrf0)  }
.LBB2_44:
0x263: {  	p1 =	seq.s32 s0, $0x3F;
	v11 =	vsub.s32 s25, v11;
	(v2sf) =	vpush v12, $0xF  }
0x264: {  	v11 =	vadd.s32 v12, v11  }
0x265: {  	[tilespmem:v9+s11+$0x0] =	vst.idx.msk $0xffff, v11;
	v9 =	vmov v10;
	_ =	sdelay $0x1  }
0x266: {  	v11 =	vld.idx.msk [tilespmem:v10+s11+$0x0], $0xffff;
	_ =	sdelay $0x5  }
0x267: {  	(xrf0) =	vadd.scan.msk.s32 $0xffff, v11;
	_ =	sdelay $0x1  }
.Ltmp38:
0x268: {  	(pc) =	sbr.rel @!p1 .LBB2_44-.Ltmp38, $3  }
0x269: {  	_ =	sdelay $0x1  }
0x26a: {  	s1 =	spop (v2sf)  }
0x26b: {  	v10 =	vor.u32 s0, v1;
	s0 =	sadd.s32 $0x1, s0;
	v12, _, _ =	vpop (xrf0);
	s25 =	sadd.s32 s25, s1  }
0x26c: {  	_ =	sdelay $0x1  }
0x26d: {  	v11 =	vsub.s32 s25, v11  }
0x26e: {  	v11 =	vadd.s32 v12, v11  }
0x26f: {  	[tilespmem:v9+s11+$0x0] =	vst.idx.msk $0xffff, v11  }
0x270: {  	v9 =	vld.idx.msk [tilespmem:v10+s11+$0x0], $0xffff;
	_ =	sdelay $0x4  }
0x271: {  	(xrf0) =	vadd.scan.msk.s32 $0xffff, v9;
	_ =	sdelay $0x2  }
0x272: {  	(v2sf) =	vpush v12, $0xF;
	_ =	sdelay $0x2  }
0x273: {  	v11, _, _ =	vpop (xrf0)  }
0x274: {  	(v2sf) =	vpush v11, $0xF;
	_ =	sdelay $0xa  }
.Ltmp39:
0x275: {  	s0 =	spop (v2sf);
	(pc) =	sbr.rel @p0 .LBB2_49-.Ltmp39, $4  }
0x276: {  	s0 =	sadd.s32 s25, s0  }
0x277: {  	v9 =	vsub.s32 s0, v9  }
0x278: {  	v9 =	vadd.s32 v11, v9  }
0x279: {  	[tilespmem:v10+s11+$0x0] =	vst.idx.msk $0xffff, v9;
	s31 =	spop (v2sf)  }
0x27a: {  	s0 =	simm.s32 $0x0  }
0x27b: {  	v10 =	vadd.s32 s0, v8;
	_ =	sdelay $0x4  }
0x27c: {  	v9 =	vld.idx.msk [tilespmem:v10+s12+$0x0], $0xffff;
	_ =	sdelay $0x4  }
0x27d: {  	v11 =	vshrl.u32 v9, $0x14  }
0x27e: {  	v11 =	vand.u32 $0x3F, v11  }
0x27f: {  	p0 =	seq.s32 s24, $0x1;
	v11 =	vor.u32 v1, v11  }
.Ltmp40:
0x280: {  	_ = 	snop;
	(pc) =	sbr.rel @p0 .LBB2_48-.Ltmp40, $3  }
0x281: {  	_ =	sdelay $0x1  }
0x282: {  	v10 =	vld.idx.msk [tilespmem:v10+s13+$0x0], $0xffff  }
0x283: {  	s0 =	simm.s32 $0x1;
	v12 =	vld.idx.msk [tilespmem:v11+s11+$0x0], $0xffff  }
.LBB2_47:
0x284: {  	_ =	sdelay $0x4  }
0x285: {  	v13 =	vadd.s32 s0, v8;
	_ =	sdelay $0x1  }
0x286: {  	s0 =	sadd.s32 $0x1, s0;
	[tilespmem:v12+s14+$0x0] =	vst.idx.msk $0xffff, v9  }
0x287: {  	p0 =	seq.s32 s24, s0;
	[tilespmem:v12+s15+$0x0] =	vst.idx.msk $0xffff, v10  }
0x288: {  	[tilespmem:v11+s11+$0x0] =	vst.idx.add.s32.msk $0xffff, v5  }
0x289: {  	v9 =	vld.idx.msk [tilespmem:v13+s12+$0x0], $0xffff  }
0x28a: {  	v10 =	vld.idx.msk [tilespmem:v13+s13+$0x0], $0xffff;
	_ =	sdelay $0x4  }
0x28b: {  	v11 =	vshrl.u32 v9, $0x14  }
0x28c: {  	v11 =	vand.u32 $0x3F, v11  }
0x28d: {  	v11 =	vor.u32 v1, v11  }
.Ltmp41:
0x28e: {  	(pc) =	sbr.rel @!p0 .LBB2_47-.Ltmp41, $2  }
0x28f: {  	_ =	sdelay $0x2  }
0x290: {  	v12 =	vld.idx.msk [tilespmem:v11+s11+$0x0], $0xffff  }
.LBB2_48:
0x291: {  	_ =	sdelay $0x7  }
0x292: {  	[tilespmem:v12+s14+$0x0] =	vst.idx.msk $0xffff, v9  }
0x293: {  	[tilespmem:v12+s15+$0x0] =	vst.idx.msk $0xffff, v10  }
0x294: {  	[tilespmem:v11+s11+$0x0] =	vst.idx.add.s32.msk $0xffff, v5  }
.LBB2_49:
0x295: {  	s24 =	simm.s32 $0x0  }
0x296: {  	v9 =	vld [tilespmem:s24+$0x8D00];
	_ =	sdelay $0x1  }
0x297: {  	s25 =	simm.s32 $0x0  }
0x298: {  	v8 =	vmov s23;
	v10 =	vor.u32 s25, v0  }
0x299: {  	vm0 =	vlt.s32 v10, v8  }
0x29a: {  	v9 =	vnsel vm0, $0x0, v9  }
0x29b: {  	v13 =	vld [tilespmem:s24+$0x6400];
	v10 =	vshll.u32 v9, $0x2  }
0x29c: {  	v9 =	vand.u32 $0x7F, v9;
	v10 =	vand.u32 $0xFFFFFE00, v10  }
0x29d: {  	v11 =	vor.u32 v9, v10  }
0x29e: {  	v10 =	vor.u32 $0x80, v11  }
0x29f: {  	v14 =	vor.u32 $0x100, v11  }
0x2a0: {  	s23 =	simm.s32 $0x10;
	v15 =	vsub.s32 $0x3F800000, v13;
	v13 =	vor.u32 $0x180, v11  }
0x2a1: {  	v12 =	vld [tilespmem:s23+$0x8D00]  }
0x2a2: {  	v9 =	vld.idx.msk [tilespmem:v11+s10+$0x0], $0xffff  }
0x2a3: {  	v10 =	vld.idx.msk [tilespmem:v10+s10+$0x0], $0xffff  }
0x2a4: {  	s26 =	simm.s32 $0x80;
	v11 =	vld.idx.msk [tilespmem:v14+s10+$0x0], $0xffff;
	v14 =	vnsel vm0, $0x0, v15  }
.LBB2_50:
0x2a5: {  	p0 =	sne.s32 s26, $0xFC0;
	v13 =	vld.idx.msk [tilespmem:v13+s10+$0x0], $0xffff;
	[tilespmem:s24+$0xCE00] =	vst v14;
	s25 =	sadd.s32 $0x10, s25  }
0x2a6: {  	v14 =	vor.u32 s25, v0  }
0x2a7: {  	vm0 =	vlt.s32 v14, v8  }
0x2a8: {  	v12 =	vnsel vm0, $0x0, v12;
	[tilespmem:s24+$0xBA00] =	vst v9  }
0x2a9: {  	v14 =	vshll.u32 v12, $0x2;
	[tilespmem:s24+$0xBE00] =	vst v10  }
0x2aa: {  	v12 =	vand.u32 $0x7F, v12;
	v14 =	vand.u32 $0xFFFFFE00, v14;
	[tilespmem:s24+$0xC200] =	vst v11  }
0x2ab: {  	v9 =	vsub.f32 v11, v9;
	v10 =	vsub.f32 v13, v10;
	v14 =	vor.u32 v12, v14;
	[tilespmem:s24+$0xC600] =	vst v13  }
0x2ac: {  	v11 =	vor.u32 $0x80, v14;
	v15 =	vld [tilespmem:s23+$0x6400]  }
0x2ad: {  	v16 =	vor.u32 $0x100, v14;
	v9 =	vmul.f32 v10, v9  }
.Ltmp42:
0x2ae: {  	s0 =	sshra.s32 s26, $0x2;
	v13 =	vor.u32 $0x180, v14;
	(pc) =	sbr.rel @p0 .LBB2_50-.Ltmp42, $4  }
0x2af: {  	v12 =	vld [tilespmem:s0+$0x8D00];
	[tilespmem:s24+$0xCA00] =	vst v9;
	s24 =	smov.u32 s23;
	s23 =	smov.u32 s0  }
0x2b0: {  	v9 =	vld.idx.msk [tilespmem:v14+s10+$0x0], $0xffff  }
0x2b1: {  	v10 =	vld.idx.msk [tilespmem:v11+s10+$0x0], $0xffff;
	v14 =	vsub.s32 $0x3F800000, v15  }
0x2b2: {  	s26 =	sadd.s32 $0x40, s26;
	v11 =	vld.idx.msk [tilespmem:v16+s10+$0x0], $0xffff;
	v14 =	vnsel vm0, $0x0, v14  }
0x2b3: {  	_ =	sdelay $0x2  }
0x2b4: {  	s0 =	sadd.s32 $0x10, s25  }
0x2b5: {  	v13 =	vld.idx.msk [tilespmem:v13+s10+$0x0], $0xffff;
	v15 =	vor.u32 s0, v0  }
0x2b6: {  	vm0 =	vlt.s32 v15, v8  }
0x2b7: {  	v8 =	vnsel vm0, $0x0, v12  }
0x2b8: {  	v12 =	vshll.u32 v8, $0x2  }
0x2b9: {  	[tilespmem:s24+$0xBA00] =	vst v9;
	v8 =	vand.u32 $0x7F, v8;
	v12 =	vand.u32 $0xFFFFFE00, v12  }
0x2ba: {  	[tilespmem:s24+$0xBE00] =	vst v10;
	v9 =	vsub.f32 v11, v9;
	v10 =	vsub.f32 v13, v10;
	v8 =	vor.u32 v8, v12  }
0x2bb: {  	[tilespmem:s24+$0xC200] =	vst v11;
	v11 =	vor.u32 $0x80, v8  }
0x2bc: {  	[tilespmem:s24+$0xCE00] =	vst v14;
	v12 =	vor.u32 $0x100, v8;
	v9 =	vmul.f32 v10, v9  }
0x2bd: {  	[tilespmem:s24+$0xC600] =	vst v13;
	v62 =	vor.u32 $0x180, v8  }
0x2be: {  	v10 =	vld [tilespmem:s23+$0x6400];
	[tilespmem:s24+$0xCA00] =	vst v9  }
0x2bf: {  	v8 =	vld.idx.msk [tilespmem:v8+s10+$0x0], $0xffff  }
0x2c0: {  	v9 =	vld.idx.msk [tilespmem:v11+s10+$0x0], $0xffff  }
0x2c1: {  	v11 =	vld.idx.msk [tilespmem:v12+s10+$0x0], $0xffff  }
0x2c2: {  	v63 =	vld.idx.msk [tilespmem:v62+s10+$0x0], $0xffff;
	_ =	sdelay $0x1  }
0x2c3: {  	v10 =	vsub.s32 $0x3F800000, v10  }
0x2c4: {  	v10 =	vnsel vm0, $0x0, v10  }
0x2c5: {  	[tilespmem:s23+$0xCE00] =	vst v10  }
0x2c6: {  	[tilespmem:s23+$0xBA00] =	vst v8;
	v8 =	vsub.f32 v11, v8;
	v10 =	vsub.f32 v63, v9  }
0x2c7: {  	[tilespmem:s23+$0xBE00] =	vst v9  }
0x2c8: {  	[tilespmem:s23+$0xC200] =	vst v11;
	v8 =	vmul.f32 v10, v8  }
0x2c9: {  	[tilespmem:s23+$0xC600] =	vst v63  }
0x2ca: {  	[tilespmem:s23+$0xCA00] =	vst v8  }
0x2cb: {  	[tilespmem:$0xD200] =	vst v7  }
0x2cc: {  	[tilespmem:$0xD280] =	vst v7  }
0x2cd: {  	[tilespmem:$0xD300] =	vst v7  }
0x2ce: {  	[tilespmem:$0xD380] =	vst v7  }
0x2cf: {  	[tilespmem:$0xD400] =	vst v7  }
0x2d0: {  	[tilespmem:$0xD480] =	vst v7  }
0x2d1: {  	[tilespmem:$0xD210] =	vst v7  }
0x2d2: {  	[tilespmem:$0xD290] =	vst v7  }
0x2d3: {  	[tilespmem:$0xD310] =	vst v7  }
0x2d4: {  	[tilespmem:$0xD390] =	vst v7  }
0x2d5: {  	[tilespmem:$0xD410] =	vst v7  }
0x2d6: {  	[tilespmem:$0xD490] =	vst v7  }
0x2d7: {  	[tilespmem:$0xD220] =	vst v7  }
0x2d8: {  	[tilespmem:$0xD2A0] =	vst v7  }
0x2d9: {  	[tilespmem:$0xD320] =	vst v7  }
0x2da: {  	[tilespmem:$0xD3A0] =	vst v7;
	v8 =	vld [tilespmem:$0xCE00]  }
0x2db: {  	[tilespmem:$0xD420] =	vst v7  }
0x2dc: {  	[tilespmem:$0xD4A0] =	vst v7  }
0x2dd: {  	[tilespmem:$0xD230] =	vst v7  }
0x2de: {  	[tilespmem:$0xD2B0] =	vst v7  }
0x2df: {  	[tilespmem:$0xD330] =	vst v7;
	(v2sf) =	vpush v8, $0x0  }
0x2e0: {  	[tilespmem:$0xD3B0] =	vst v7  }
0x2e1: {  	[tilespmem:$0xD430] =	vst v7  }
0x2e2: {  	[tilespmem:$0xD4B0] =	vst v7  }
0x2e3: {  	[tilespmem:$0xD240] =	vst v7  }
0x2e4: {  	[tilespmem:$0xD2C0] =	vst v7  }
0x2e5: {  	[tilespmem:$0xD340] =	vst v7  }
0x2e6: {  	[tilespmem:$0xD3C0] =	vst v7  }
0x2e7: {  	[tilespmem:$0xD440] =	vst v7  }
0x2e8: {  	[tilespmem:$0xD4C0] =	vst v7  }
0x2e9: {  	[tilespmem:$0xD250] =	vst v7  }
0x2ea: {  	[tilespmem:$0xD2D0] =	vst v7  }
0x2eb: {  	[tilespmem:$0xD350] =	vst v7  }
0x2ec: {  	[tilespmem:$0xD3D0] =	vst v7  }
0x2ed: {  	[tilespmem:$0xD450] =	vst v7  }
0x2ee: {  	[tilespmem:$0xD4D0] =	vst v7;
	s31 =	spop (v2sf)  }
0x2ef: {  	[tilespmem:$0xD260] =	vst v7;
	p0 =	sgt.f32 s31, $0.0e+00  }
.Ltmp43:
0x2f0: {  	[tilespmem:$0xD2E0] =	vst v7;
	(pc) =	sbr.rel @p0 .LBB2_71-.Ltmp43, $4  }
.Ltmp44:
0x2f1: {  	[tilespmem:$0xD360] =	vst v7;
	(pc) =	sbr.rel @!p0 .LBB2_52-.Ltmp44, $4  }
0x2f2: {  	[tilespmem:$0xD3E0] =	vst v7  }
0x2f3: {  	s26 =	simm.s32 $0x0;
	[tilespmem:$0xD460] =	vst v7  }
0x2f4: {  	s25 =	simm.s32 $0x0;
	s24 =	simm.s32 $0x0;
	s23 =	simm.s32 $0x0;
	[tilespmem:$0xD4E0] =	vst v7  }
0x2f5: {  	_ = 	snop  }
.LBB2_75:
0x2f6: {  	v14 =	vmov s24;
	_ =	sdelay $0x4  }
0x2f7: {  	[tilespmem:v14+s16+$0x0] =	vst.idx.msk $0x1, v9  }
0x2f8: {  	[tilespmem:v14+s17+$0x0] =	vst.idx.msk $0x1, v10  }
0x2f9: {  	[tilespmem:v14+s18+$0x0] =	vst.idx.msk $0x1, v11  }
0x2fa: {  	v8 =	vbroadcast v8, $0x0;
	[tilespmem:v14+s19+$0x0] =	vst.idx.msk $0x1, v12  }
0x2fb: {  	[tilespmem:v14+s20+$0x0] =	vst.idx.msk $0x1, v13  }
0x2fc: {  	s24 =	sadd.s32 $0x1, s24;
	[tilespmem:v14+s21+$0x0] =	vst.idx.msk $0x1, v8  }
.LBB2_76:
0x2fd: {  	v8 =	vld [tilespmem:s25+$0xCE01];
	_ =	sdelay $0x4  }
0x2fe: {  	(v2sf) =	vpush v8, $0x0;
	_ =	sdelay $0xc  }
0x2ff: {  	p0 =	sgt.u32 s25, $0x3E6  }
0x300: {  	p1 =	sgt.s32 @!p0 s24, $0x63  }
0x301: {  	p1 =	por p0, p1;
	s0 =	spop (v2sf)  }
0x302: {  	p2 =	sgt.f32 @!p1 s0, $0.0e+00;
	_ =	sdelay $0x1  }
0x303: {  	p2 =	por p1, !p2  }
.Ltmp45:
0x304: {  	_ = 	snop;
	(pc) =	sbr.rel @p2 .LBB2_77-.Ltmp45, $2  }
0x305: {  	_ =	sdelay $0x2  }
0x306: {  	s25 =	sadd.s32 $0x1, s25  }
.LBB2_71:
0x307: {  	s0 =	sadd.s32 $0xF, s24  }
0x308: {  	s26 =	sshra.s32 s0, $0x4  }
0x309: {  	p0 =	slt.s32 s26, $0x1  }
.Ltmp46:
0x30a: {  	v9 =	vld.msk [tilespmem:s25+$0xBA00 ss:$0x0], $0xffff;
	(pc) =	sbr.rel @p0 .LBB2_75-.Ltmp46, $4  }
0x30b: {  	v10 =	vld.msk [tilespmem:s25+$0xBE00 ss:$0x0], $0xffff  }
0x30c: {  	v11 =	vld.msk [tilespmem:s25+$0xC200 ss:$0x0], $0xffff  }
0x30d: {  	v12 =	vld.msk [tilespmem:s25+$0xC600 ss:$0x0], $0xffff  }
0x30e: {  	v13 =	vld.msk [tilespmem:s25+$0xCA00 ss:$0x0], $0xffff  }
0x30f: {  	s28 =	simm.s32 $0x1;
	s29 =	simm.s32 $0xD200;
	s30 =	simm.s32 $0xD280  }
0x310: {  	s31 =	simm.s32 $0xD300;
	s0 =	simm.s32 $0xD380;
	s1 =	simm.s32 $0xD400  }
.LBB2_73:
0x311: {  	v14 =	vld [tilespmem:s29+$0x0]  }
0x312: {  	v15 =	vld [tilespmem:s30+$0x0]  }
0x313: {  	v16 =	vld [tilespmem:s31+$0x0]  }
0x314: {  	v17 =	vld [tilespmem:s0+$0x0];
	_ =	sdelay $0x3  }
0x315: {  	v18 =	vld [tilespmem:s1+$0x0];
	v14 =	vmax.f32 v9, v14  }
0x316: {  	v15 =	vmax.f32 v10, v15;
	v16 =	vmin.f32 v11, v16;
	v17 =	vmin.f32 v12, v17  }
0x317: {  	v14 =	vsub.f32 v16, v14;
	v15 =	vsub.f32 v17, v15;
	_ =	sdelay $0x1  }
0x318: {  	v14 =	vmax.f32 v14, $0.0e+00;
	v15 =	vmax.f32 v15, $0.0e+00  }
0x319: {  	v14 =	vmul.f32 v15, v14;
	v15 =	vadd.f32 v18, v13;
	_ =	sdelay $0x1  }
0x31a: {  	v15 =	vsub.f32 v15, v14;
	_ =	sdelay $0x1  }
0x31b: {  	v15 =	vadd.f32 $9.999999710e-10, v15;
	_ =	sdelay $0x1  }
0x31c: {  	(erf) = vrcp.f32 v15;
	_ =	sdelay $0x8  }
0x31d: {  	v15 =	vpop (erf)  }
0x31e: {  	v14 =	vmul.f32 v15, v14;
	_ =	sdelay $0x1  }
0x31f: {  	vm0 =	vgt.f32 v14, $3.000000120e-01  }
0x320: {  	v14 =	vsel vm0, $0x1, v2  }
0x321: {  	(xrf0) =	vadd.scan.msk.s32 $0xffff, v14;
	_ =	sdelay $0x5  }
0x322: {  	v14, _, _ =	vpop (xrf0)  }
0x323: {  	(v2sf) =	vpush v14, $0xF;
	_ =	sdelay $0xe  }
0x324: {  	p0 =	sge.s32 s28, s26;
	s7 =	spop (v2sf)  }
0x325: {  	p1 =	slt.s32 @!p0 s7, $0x1  }
0x326: {  	p0 =	por p0, !p1  }
.Ltmp47:
0x327: {  	_ = 	snop;
	(pc) =	sbr.rel @!p0 .LBB2_73-.Ltmp47, $3  }
0x328: {  	_ =	sdelay $0x1  }
0x329: {  	s28 =	sadd.s32 $0x1, s28;
	s29 =	sadd.s32 $0x10, s29;
	s30 =	sadd.s32 $0x10, s30  }
0x32a: {  	s31 =	sadd.s32 $0x10, s31;
	s0 =	sadd.s32 $0x10, s0;
	s1 =	sadd.s32 $0x10, s1  }
0x32b: {  	p0 =	sgt.s32 s7, $0x0  }
.Ltmp48:
0x32c: {  	_ = 	snop;
	(pc) =	sbr.rel @p0 .LBB2_76-.Ltmp48, $4  }
.Ltmp49:
0x32d: {  	_ = 	snop;
	(pc) =	sbr.rel @!p0 .LBB2_75-.Ltmp49, $4  }
0x32e: {  	_ = 	snop  }
0x32f: {  	_ = 	snop  }
0x330: {  	_ = 	snop  }
0x331: {  	_ = 	snop  }
.LBB2_77:
0x332: {  	s0 =	smov.u32 s24  }
0x333: {  	s0 =	smov.u32 @p0 s24  }
0x334: {  	s24 =	smov.u32 @p1 s0  }
0x335: {  	s26 =	smov.u32 s24  }
.LBB2_52:
0x336: {  	[tilespmem:$0xD500] =	vst v7  }
0x337: {  	[tilespmem:$0xD510] =	vst v7  }
0x338: {  	[tilespmem:$0xD520] =	vst v7  }
0x339: {  	[tilespmem:$0xD530] =	vst v7  }
0x33a: {  	[tilespmem:$0xD540] =	vst v7  }
0x33b: {  	[tilespmem:$0xD550] =	vst v7  }
0x33c: {  	[tilespmem:$0xD560] =	vst v7  }
0x33d: {  	[tilespmem:$0xD570] =	vst v7  }
0x33e: {  	[tilespmem:$0xD580] =	vst v7  }
0x33f: {  	[tilespmem:$0xD590] =	vst v7  }
0x340: {  	[tilespmem:$0xD5A0] =	vst v7  }
0x341: {  	[tilespmem:$0xD5B0] =	vst v7  }
0x342: {  	[tilespmem:$0xD5C0] =	vst v7  }
0x343: {  	[tilespmem:$0xD5D0] =	vst v7  }
0x344: {  	[tilespmem:$0xD5E0] =	vst v7  }
0x345: {  	[tilespmem:$0xD5F0] =	vst v7  }
0x346: {  	[tilespmem:$0xD600] =	vst v7  }
0x347: {  	[tilespmem:$0xD610] =	vst v7  }
0x348: {  	[tilespmem:$0xD620] =	vst v7  }
0x349: {  	[tilespmem:$0xD630] =	vst v7  }
0x34a: {  	[tilespmem:$0xD640] =	vst v7  }
0x34b: {  	[tilespmem:$0xD650] =	vst v7  }
0x34c: {  	[tilespmem:$0xD660] =	vst v7  }
0x34d: {  	[tilespmem:$0xD670] =	vst v7  }
0x34e: {  	[tilespmem:$0xD680] =	vst v7  }
0x34f: {  	[tilespmem:$0xD690] =	vst v7  }
0x350: {  	[tilespmem:$0xD6A0] =	vst v7  }
0x351: {  	[tilespmem:$0xD6B0] =	vst v7  }
0x352: {  	[tilespmem:$0xD6C0] =	vst v7  }
0x353: {  	[tilespmem:$0xD6D0] =	vst v7;
	v9 =	vor.u32 s23, v0  }
0x354: {  	[tilespmem:$0xD6E0] =	vst v7;
	v8 =	vmov s26;
	v10 =	vmul.u32 $0x5, v9  }
0x355: {  	s29 =	simm.s32 $0xD200;
	[tilespmem:$0xD6F0] =	vst v7;
	vm0 =	vlt.s32 v9, v8  }
0x356: {  	v9 =	vnsel vm0, $0x0, v10;
	v10 =	vld [tilespmem:s29+$0x0];
	_ =	sdelay $0x4  }
0x357: {  	s28 =	simm.s32 $0xD280;
	[tilespmem:v9+s22+$0x0] =	vst.idx.msk vm0, v10  }
0x358: {  	v10 =	vadd.s32 $0x1, v9;
	v11 =	vld [tilespmem:s28+$0x0];
	_ =	sdelay $0x4  }
0x359: {  	s26 =	simm.s32 $0xD300;
	[tilespmem:v10+s22+$0x0] =	vst.idx.msk vm0, v11  }
0x35a: {  	v10 =	vadd.s32 $0x2, v9;
	v11 =	vld [tilespmem:s26+$0x0];
	_ =	sdelay $0x4  }
0x35b: {  	s25 =	simm.s32 $0xD380;
	[tilespmem:v10+s22+$0x0] =	vst.idx.msk vm0, v11  }
0x35c: {  	v10 =	vadd.s32 $0x3, v9;
	v11 =	vld [tilespmem:s25+$0x0];
	_ =	sdelay $0x4  }
0x35d: {  	s24 =	simm.s32 $0xD480;
	[tilespmem:v10+s22+$0x0] =	vst.idx.msk vm0, v11  }
0x35e: {  	v9 =	vadd.s32 $0x4, v9;
	v10 =	vld [tilespmem:s24+$0x0];
	_ =	sdelay $0x1  }
0x35f: {  	s0 =	simm.s32 $0x10  }
0x360: {  	s23 =	simm.s32 $0x20;
	v11 =	vor.u32 s0, v0  }
.LBB2_53:
0x361: {  	p0 =	sne.s32 s23, $0x60;
	v12 =	vmul.u32 $0x5, v11  }
0x362: {  	s29 =	sadd.s32 $0x10, s29;
	[tilespmem:v9+s22+$0x0] =	vst.idx.msk vm0, v10;
	vm0 =	vlt.s32 v11, v8  }
0x363: {  	v9 =	vnsel vm0, $0x0, v12;
	v10 =	vld [tilespmem:s29+$0x0];
	_ =	sdelay $0x4  }
0x364: {  	s28 =	sadd.s32 $0x10, s28;
	[tilespmem:v9+s22+$0x0] =	vst.idx.msk vm0, v10  }
0x365: {  	v10 =	vadd.s32 $0x1, v9;
	v11 =	vld [tilespmem:s28+$0x0];
	_ =	sdelay $0x4  }
0x366: {  	s26 =	sadd.s32 $0x10, s26;
	[tilespmem:v10+s22+$0x0] =	vst.idx.msk vm0, v11  }
0x367: {  	v10 =	vadd.s32 $0x2, v9;
	v11 =	vld [tilespmem:s26+$0x0];
	_ =	sdelay $0x4  }
0x368: {  	s25 =	sadd.s32 $0x10, s25;
	[tilespmem:v10+s22+$0x0] =	vst.idx.msk vm0, v11  }
0x369: {  	v10 =	vadd.s32 $0x3, v9;
	v11 =	vld [tilespmem:s25+$0x0];
	_ =	sdelay $0x4  }
.Ltmp50:
0x36a: {  	s24 =	sadd.s32 $0x10, s24;
	[tilespmem:v10+s22+$0x0] =	vst.idx.msk vm0, v11;
	(pc) =	sbr.rel @p0 .LBB2_53-.Ltmp50, $2  }
0x36b: {  	v9 =	vadd.s32 $0x4, v9;
	v10 =	vld [tilespmem:s24+$0x0];
	_ =	sdelay $0x2  }
0x36c: {  	v11 =	vor.u32 s23, v0;
	s23 =	sadd.s32 $0x10, s23  }
0x36d: {  	_ =	sdelay $0x3  }
0x36e: {  	v12 =	vmul.u32 $0x5, v11  }
0x36f: {  	vm1 =	vlt.s32 v11, v8;
	s0 =	sadd.s32 $0x10, s29;
	[tilespmem:v9+s22+$0x0] =	vst.idx.msk vm0, v10  }
0x370: {  	v8 =	vnsel vm1, $0x0, v12;
	v9 =	vld [tilespmem:s0+$0x0];
	_ =	sdelay $0x4  }
0x371: {  	s28 =	sadd.s32 $0x10, s28;
	[tilespmem:v8+s22+$0x0] =	vst.idx.msk vm1, v9  }
0x372: {  	v61 =	vadd.s32 $0x1, v8;
	v10 =	vld [tilespmem:s28+$0x0];
	_ =	sdelay $0x4  }
0x373: {  	s29 =	sadd.s32 $0x10, s26;
	[tilespmem:v61+s22+$0x0] =	vst.idx.msk vm1, v10  }
0x374: {  	v62 =	vadd.s32 $0x2, v8;
	v10 =	vld [tilespmem:s29+$0x0];
	_ =	sdelay $0x4  }
0x375: {  	s30 =	sadd.s32 $0x10, s25;
	[tilespmem:v62+s22+$0x0] =	vst.idx.msk vm1, v10  }
0x376: {  	v63 =	vadd.s32 $0x3, v8;
	v10 =	vld [tilespmem:s30+$0x0];
	_ =	sdelay $0x4  }
0x377: {  	s31 =	sadd.s32 $0x10, s24;
	[tilespmem:v63+s22+$0x0] =	vst.idx.msk vm1, v10  }
0x378: {  	v8 =	vadd.s32 $0x4, v8;
	v9 =	vld [tilespmem:s31+$0x0];
	_ =	sdelay $0x2  }
0x379: {  	s2 =	sadd.s32 $0x1, s2  }
0x37a: {  	p0 =	sne.s32 s2, s6  }
.Ltmp51:
0x37b: {  	s1 =	simm.s32 $0x80;
	[tilespmem:v8+s22+$0x0] =	vst.idx.msk vm1, v9;
	(pc) =	sbr.rel @p0 .LBB2_2-.Ltmp51, $4  }
0x37c: {  	[hbm4b:s4+s1] =	stream.strided.scatter [tilespmem:s22], [sflag:$0x1], $0x200, s8, s1, $0x38;
	[tilespmem:$0xD700] =	vst v63  }
0x37d: {  	_ =	swait.ge [sflag:s9], $0x200  }
0x37e: {  	[sflag:s9] =	ssyncset.done $0x0  }
0x37f: {  	[sflag:s9] =	ssyncadd.s32 $0xFFFFFE00  }
.LBB2_55:
0x380: {  	_ =	sfence.sel $0x180000  }
0x381: {  	[bflag:$0x0] =	sbarrier.arrive $0xFFFF  }
0x382: {  	_ =	strace $0x90000047  }
0x383: {  	s0 =	stileid.u32;
	[bflag:$0x2] =	sbarrier.arrive $0xFFFF  }
0x384: {  	p0 =	sne.s32 s0, $0x0;
	s0 =	rddreg [dreg:$0x2]  }
0x385: {  	s0 =	sadd.s32 @!p0 $0x100000, s0  }
0x386: {  	[sflag:s0] =	ssyncadd.tile.s32 @!p0 $0x1;
	_ =	shalt  }
.Lfunc_end2:
_tile_overlayer_lowered:
.L_overlay_start_2:
0x387: {  	(tag) =	ssettag $0x2  }
0x388: {  	s0 =	rddreg [dreg:$0x0];
	s2 =	stileid.u32  }
0x389: {  	s1 =	rddreg [dreg:$0x1];
	p0 =	sne.s32 s2, $0x0  }
0x38a: {  	s3 =	rddreg [dreg:$0x2];
	[bflag:$0x3] =	sbarrier.arrive $0xFFFF;
	s2 =	simm.s32 @!p0 $0x1C01  }
0x38b: {  	[timem:s3], [sflag:s2] =	dma.local @!p0 [hbm:s0], s1  }
0x38c: {  	s0 =	simm.s32 @!p0 $0x1  }
0x38d: {  	_ =	swait.ge @!p0 [sflag:s0], s1  }
0x38e: {  	s1 =	ssub.s32 @!p0 $0x0, s1;
	[sflag:s0] =	ssyncset.done @!p0 $0x0  }
0x38f: {  	[sflag:s0] =	ssyncadd.s32 @!p0 s1  }
0x390: {  	[bflag:$0x3] =	sbarrier.arrive $0xFFFF  }
0x391: {  	_ =	shalt  }

</sc_bundles>
